<compile_context>
chip_gen: v7x
topology: tpu7x:2x2x1
jax: 0.10.2.dev20260603
libtpu: 0.0.44.dev20260713+nightly
codegen_flags: <defaults>
</compile_context>

<pallas_src>
import functools

import jax
import jax.numpy as jnp
from jax import lax
from jax.experimental import pallas as pl
from jax.experimental.pallas import tpu as pltpu
from jax.experimental.pallas import tpu_sc as plsc

_ROWS = 4 * 1024 * 1024
_CLASSES = 4
_SEG_ROWS = 1024 * 1024
_FLAT = _ROWS * _CLASSES
_NW = 32
_PER_W = _FLAT // _NW
_CHUNK = 16384
_NCHUNK = _PER_W // _CHUNK
_LANES = 16


def _build_one_hot_flat():
    mesh = plsc.VectorSubcoreMesh(core_axis_name="c", subcore_axis_name="s")

    @functools.partial(
        pl.kernel,
        mesh=mesh,
        out_type=jax.ShapeDtypeStruct((_FLAT,), jnp.int32),
        scratch_types=[
            pltpu.VMEM((_CHUNK,), jnp.int32),
            pltpu.SemaphoreType.DMA,
        ],
    )
    def k(out_hbm, buf_v, sem):
        wid = lax.axis_index("s") * 2 + lax.axis_index("c")
        lid = wid // (_NW // _CLASSES)
        ones = jnp.full((_LANES,), 1, dtype=jnp.int32)
        zeros = jnp.full((_LANES,), 0, dtype=jnp.int32)

        def fill(i, _):
            klass = lax.rem(i, 32) // (128 // _LANES)
            buf_v[pl.ds(i * _LANES, _LANES)] = jnp.where(
                klass == lid, ones, zeros)
            return 0

        lax.fori_loop(0, _CHUNK // _LANES, fill, 0, unroll=8)

        base = wid * _PER_W
        copies = [
            pltpu.make_async_copy(
                buf_v, out_hbm.at[pl.ds(base + c * _CHUNK, _CHUNK)], sem)
            for c in range(_NCHUNK)
        ]
        for cp in copies:
            cp.start()
        for cp in copies:
            cp.wait()

    return k()


def kernel(w0, w1, w2, w3, y):
    flat = _build_one_hot_flat()
    one_hot = (flat.reshape(_ROWS // 128, _CLASSES, 128)
               .transpose(0, 2, 1)
               .reshape(_ROWS, _CLASSES)
               .astype(jnp.int64))
    return (one_hot, y)

# --- scband reference (transcript-rebuilt; emitter-appended) ---
"""Pipeline reference for scband-layer-one-hot-transform-16982300688840 (READ-ONLY COPY).

The authoritative reference and input builder live on the scoring server;
editing this copy changes nothing except your own understanding.
"""

import jax, jax.numpy as jnp
import numpy as np


def setup_inputs(seed: int = 0) -> dict:
    key = jax.random.key(seed)
    ks = jax.random.split(key, 5)
    w0 = jax.random.normal(ks[0], (1024, 1024), dtype=jnp.float32)
    w1 = jax.random.normal(ks[1], (1024, 1024), dtype=jnp.float32)
    w2 = jax.random.normal(ks[2], (1024, 1024), dtype=jnp.float32)
    w3 = jax.random.normal(ks[3], (1024, 1024), dtype=jnp.float32)
    y = jax.random.normal(ks[4], (16384,), dtype=jnp.float32)
    return {"w0": w0, "w1": w1, "w2": w2, "w3": w3, "y": y}


def reference(w0, w1, w2, w3, y):
    # Reconstruct the weights_dict argument of the torch module
    weights_dict = {
        "layers.0.weight": w0,
        "layers.1.weight": w1,
        "layers.2.weight": w2,
        "layers.3.weight": w3,
    }
    # layer_index: layer id repeated numel(tensor) times (depends only on shapes/keys)
    parts = []
    layer_ids = []
    for k, v in weights_dict.items():
        lid = int(k.split('.')[1])
        layer_ids.append(lid)
        parts.append(jnp.full((v.size,), lid, dtype=jnp.int32))
    layer_index = jnp.concatenate(parts, axis=0)
    num_classes = max(layer_ids) + 1
    # torch.nn.functional.one_hot returns int64
    one_hot = (layer_index[:, None] == jnp.arange(num_classes, dtype=jnp.int32)[None, :]).astype(jnp.int64)
    return (one_hot, y)

if __name__ == "__main__":
    import jax
    _d = setup_inputs()
    print(jax.jit(kernel)(*tuple(_d.values())))

</pallas_src>

<mosaic_0001>
#map = affine_map<(d0, d1) -> (0)>
module attributes {stable_mosaic.version = 14 : i64} {
  func.func @k(%arg0: i32, %arg1: i32, %arg2: memref<16777216xi32, #tpu.memory_space<hbm>>, %arg3: memref<16384xi32, #tpu.memory_space<vmem>>, %arg4: memref<!tpu.dma_semaphore, #tpu.memory_space<semaphore_mem>>) attributes {dimension_semantics = [#tpu.dimension_semantics<core_parallel>, #tpu.dimension_semantics<subcore_parallel>], iteration_bounds = array<i64: 2, 16>, scalar_prefetch = 0 : i64, scratch_operands = 2 : i64, tpu.core_type = #tpu.core_type<sc_vector_subcore>, window_params = [{transform_indices = #map}]} {
    %mul3A = arith.constant 2 : i32
    %mul3A_0 = arith.muli %arg1, %mul3A : i32
    %add3A = arith.addi %mul3A_0, %arg0 : i32
    %jit3A = arith.constant 8 : i32
    %div3A = arith.divsi %add3A, %jit3A : i32
    %sign3A = arith.constant 0 : i32
    %sign3A_1 = arith.cmpi sgt, %add3A, %sign3A : i32
    %sign3A_2 = arith.extui %sign3A_1 : i1 to i32
    %sign3A_3 = arith.constant 0 : i32
    %sign3A_4 = arith.cmpi slt, %add3A, %sign3A_3 : i32
    %sign3A_5 = arith.extui %sign3A_4 : i1 to i32
    %sign3A_6 = arith.subi %sign3A_2, %sign3A_5 : i32
    %sign3A_7 = arith.constant 0 : i32
    %sign3A_8 = arith.cmpi sgt, %jit3A, %sign3A_7 : i32
    %sign3A_9 = arith.extui %sign3A_8 : i1 to i32
    %sign3A_10 = arith.constant 0 : i32
    %sign3A_11 = arith.cmpi slt, %jit3A, %sign3A_10 : i32
    %sign3A_12 = arith.extui %sign3A_11 : i1 to i32
    %sign3A_13 = arith.subi %sign3A_9, %sign3A_12 : i32
    %ne3A = arith.cmpi ne, %sign3A_6, %sign3A_13 : i32
    %rem3A = arith.remsi %add3A, %jit3A : i32
    %ne3A_14 = arith.constant 0 : i32
    %ne3A_15 = arith.cmpi ne, %rem3A, %ne3A_14 : i32
    %and3A = arith.andi %ne3A, %ne3A_15 : i1
    %sub3A = arith.constant 1 : i32
    %sub3A_16 = arith.subi %div3A, %sub3A : i32
    %select_n3A = arith.select %and3A, %sub3A_16, %div3A : i32
    %broadcast_in_dim3A = arith.constant 1 : i32
    %broadcast_in_dim3A_17 = vector.broadcast %broadcast_in_dim3A : i32 to vector<16xi32>
    %broadcast_in_dim3A_18 = arith.constant 0 : i32
    %broadcast_in_dim3A_19 = vector.broadcast %broadcast_in_dim3A_18 : i32 to vector<16xi32>
    %scan3A = arith.constant 0 : i32
    %scan3A_20 = arith.constant 0 : i32
    %scan3A_21 = arith.constant 1024 : i32
    %scan3A_22 = arith.addi %scan3A_20, %scan3A_21 : i32
    %scan3A_23 = arith.constant 8 : i32
    %scan3A_24 = scf.for %scan3A_218 = %scan3A_20 to %scan3A_22 step %scan3A_23 iter_args(%scan3A_219 = %scan3A) -> (i32)  : i32 {
      %rem3A_220 = arith.constant 32 : i32
      %rem3A_221 = arith.remsi %scan3A_218, %rem3A_220 : i32
      %jit3A_222 = arith.constant 8 : i32
      %div3A_223 = arith.divsi %rem3A_221, %jit3A_222 : i32
      %sign3A_224 = arith.constant 0 : i32
      %sign3A_225 = arith.cmpi sgt, %rem3A_221, %sign3A_224 : i32
      %sign3A_226 = arith.extui %sign3A_225 : i1 to i32
      %sign3A_227 = arith.constant 0 : i32
      %sign3A_228 = arith.cmpi slt, %rem3A_221, %sign3A_227 : i32
      %sign3A_229 = arith.extui %sign3A_228 : i1 to i32
      %sign3A_230 = arith.subi %sign3A_226, %sign3A_229 : i32
      %sign3A_231 = arith.constant 0 : i32
      %sign3A_232 = arith.cmpi sgt, %jit3A_222, %sign3A_231 : i32
      %sign3A_233 = arith.extui %sign3A_232 : i1 to i32
      %sign3A_234 = arith.constant 0 : i32
      %sign3A_235 = arith.cmpi slt, %jit3A_222, %sign3A_234 : i32
      %sign3A_236 = arith.extui %sign3A_235 : i1 to i32
      %sign3A_237 = arith.subi %sign3A_233, %sign3A_236 : i32
      %ne3A_238 = arith.cmpi ne, %sign3A_230, %sign3A_237 : i32
      %rem3A_239 = arith.remsi %rem3A_221, %jit3A_222 : i32
      %ne3A_240 = arith.constant 0 : i32
      %ne3A_241 = arith.cmpi ne, %rem3A_239, %ne3A_240 : i32
      %and3A_242 = arith.andi %ne3A_238, %ne3A_241 : i1
      %sub3A_243 = arith.constant 1 : i32
      %sub3A_244 = arith.subi %div3A_223, %sub3A_243 : i32
      %select_n3A_245 = arith.select %and3A_242, %sub3A_244, %div3A_223 : i32
      %eq3A = arith.cmpi eq, %select_n3A_245, %select_n3A : i32
      %select_n3A_246 = arith.select %eq3A, %broadcast_in_dim3A_17, %broadcast_in_dim3A_19 : vector<16xi32>
      %mul3A_247 = arith.constant 16 : i32
      %mul3A_248 = arith.muli %scan3A_218, %mul3A_247 : i32
      %swap3A = arith.index_cast %mul3A_248 : i32 to index
      %swap3A_249 = tpu.vector_load %arg3[%swap3A] {strides = array<i32>} : memref<16384xi32, #tpu.memory_space<vmem>>, vector<16xi32>,
      %swap3A_250 = vector.shape_cast %swap3A_249 : vector<16xi32> to vector<16xi32>
      %swap3A_251 = vector.shape_cast %select_n3A_246 : vector<16xi32> to vector<16xi32>
      tpu.vector_store %arg3[%swap3A], %swap3A_251 {strides = array<i32>} : memref<16384xi32, #tpu.memory_space<vmem>>, vector<16xi32>,
      %scan3A_252 = arith.constant 0 : i32
      %scan3A_253 = arith.constant 1 : i32
      %scan3A_254 = arith.addi %scan3A_218, %scan3A_253 : i32
      %rem3A_255 = arith.constant 32 : i32
      %rem3A_256 = arith.remsi %scan3A_254, %rem3A_255 : i32
      %jit3A_257 = arith.constant 8 : i32
      %div3A_258 = arith.divsi %rem3A_256, %jit3A_257 : i32
      %sign3A_259 = arith.constant 0 : i32
      %sign3A_260 = arith.cmpi sgt, %rem3A_256, %sign3A_259 : i32
      %sign3A_261 = arith.extui %sign3A_260 : i1 to i32
      %sign3A_262 = arith.constant 0 : i32
      %sign3A_263 = arith.cmpi slt, %rem3A_256, %sign3A_262 : i32
      %sign3A_264 = arith.extui %sign3A_263 : i1 to i32
      %sign3A_265 = arith.subi %sign3A_261, %sign3A_264 : i32
      %sign3A_266 = arith.constant 0 : i32
      %sign3A_267 = arith.cmpi sgt, %jit3A_257, %sign3A_266 : i32
      %sign3A_268 = arith.extui %sign3A_267 : i1 to i32
      %sign3A_269 = arith.constant 0 : i32
      %sign3A_270 = arith.cmpi slt, %jit3A_257, %sign3A_269 : i32
      %sign3A_271 = arith.extui %sign3A_270 : i1 to i32
      %sign3A_272 = arith.subi %sign3A_268, %sign3A_271 : i32
      %ne3A_273 = arith.cmpi ne, %sign3A_265, %sign3A_272 : i32
      %rem3A_274 = arith.remsi %rem3A_256, %jit3A_257 : i32
      %ne3A_275 = arith.constant 0 : i32
      %ne3A_276 = arith.cmpi ne, %rem3A_274, %ne3A_275 : i32
      %and3A_277 = arith.andi %ne3A_273, %ne3A_276 : i1
      %sub3A_278 = arith.constant 1 : i32
      %sub3A_279 = arith.subi %div3A_258, %sub3A_278 : i32
      %select_n3A_280 = arith.select %and3A_277, %sub3A_279, %div3A_258 : i32
      %eq3A_281 = arith.cmpi eq, %select_n3A_280, %select_n3A : i32
      %select_n3A_282 = arith.select %eq3A_281, %broadcast_in_dim3A_17, %broadcast_in_dim3A_19 : vector<16xi32>
      %mul3A_283 = arith.constant 16 : i32
      %mul3A_284 = arith.muli %scan3A_254, %mul3A_283 : i32
      %swap3A_285 = arith.index_cast %mul3A_284 : i32 to index
      %swap3A_286 = tpu.vector_load %arg3[%swap3A_285] {strides = array<i32>} : memref<16384xi32, #tpu.memory_space<vmem>>, vector<16xi32>,
      %swap3A_287 = vector.shape_cast %swap3A_286 : vector<16xi32> to vector<16xi32>
      %swap3A_288 = vector.shape_cast %select_n3A_282 : vector<16xi32> to vector<16xi32>
      tpu.vector_store %arg3[%swap3A_285], %swap3A_288 {strides = array<i32>} : memref<16384xi32, #tpu.memory_space<vmem>>, vector<16xi32>,
      %scan3A_289 = arith.constant 0 : i32
      %scan3A_290 = arith.constant 2 : i32
      %scan3A_291 = arith.addi %scan3A_218, %scan3A_290 : i32
      %rem3A_292 = arith.constant 32 : i32
      %rem3A_293 = arith.remsi %scan3A_291, %rem3A_292 : i32
      %jit3A_294 = arith.constant 8 : i32
      %div3A_295 = arith.divsi %rem3A_293, %jit3A_294 : i32
      %sign3A_296 = arith.constant 0 : i32
      %sign3A_297 = arith.cmpi sgt, %rem3A_293, %sign3A_296 : i32
      %sign3A_298 = arith.extui %sign3A_297 : i1 to i32
      %sign3A_299 = arith.constant 0 : i32
      %sign3A_300 = arith.cmpi slt, %rem3A_293, %sign3A_299 : i32
      %sign3A_301 = arith.extui %sign3A_300 : i1 to i32
      %sign3A_302 = arith.subi %sign3A_298, %sign3A_301 : i32
      %sign3A_303 = arith.constant 0 : i32
      %sign3A_304 = arith.cmpi sgt, %jit3A_294, %sign3A_303 : i32
      %sign3A_305 = arith.extui %sign3A_304 : i1 to i32
      %sign3A_306 = arith.constant 0 : i32
      %sign3A_307 = arith.cmpi slt, %jit3A_294, %sign3A_306 : i32
      %sign3A_308 = arith.extui %sign3A_307 : i1 to i32
      %sign3A_309 = arith.subi %sign3A_305, %sign3A_308 : i32
      %ne3A_310 = arith.cmpi ne, %sign3A_302, %sign3A_309 : i32
      %rem3A_311 = arith.remsi %rem3A_293, %jit3A_294 : i32
      %ne3A_312 = arith.constant 0 : i32
      %ne3A_313 = arith.cmpi ne, %rem3A_311, %ne3A_312 : i32
      %and3A_314 = arith.andi %ne3A_310, %ne3A_313 : i1
      %sub3A_315 = arith.constant 1 : i32
      %sub3A_316 = arith.subi %div3A_295, %sub3A_315 : i32
      %select_n3A_317 = arith.select %and3A_314, %sub3A_316, %div3A_295 : i32
      %eq3A_318 = arith.cmpi eq, %select_n3A_317, %select_n3A : i32
      %select_n3A_319 = arith.select %eq3A_318, %broadcast_in_dim3A_17, %broadcast_in_dim3A_19 : vector<16xi32>
      %mul3A_320 = arith.constant 16 : i32
      %mul3A_321 = arith.muli %scan3A_291, %mul3A_320 : i32
      %swap3A_322 = arith.index_cast %mul3A_321 : i32 to index
      %swap3A_323 = tpu.vector_load %arg3[%swap3A_322] {strides = array<i32>} : memref<16384xi32, #tpu.memory_space<vmem>>, vector<16xi32>,
      %swap3A_324 = vector.shape_cast %swap3A_323 : vector<16xi32> to vector<16xi32>
      %swap3A_325 = vector.shape_cast %select_n3A_319 : vector<16xi32> to vector<16xi32>
      tpu.vector_store %arg3[%swap3A_322], %swap3A_325 {strides = array<i32>} : memref<16384xi32, #tpu.memory_space<vmem>>, vector<16xi32>,
      %scan3A_326 = arith.constant 0 : i32
      %scan3A_327 = arith.constant 3 : i32
      %scan3A_328 = arith.addi %scan3A_218, %scan3A_327 : i32
      %rem3A_329 = arith.constant 32 : i32
      %rem3A_330 = arith.remsi %scan3A_328, %rem3A_329 : i32
      %jit3A_331 = arith.constant 8 : i32
      %div3A_332 = arith.divsi %rem3A_330, %jit3A_331 : i32
      %sign3A_333 = arith.constant 0 : i32
      %sign3A_334 = arith.cmpi sgt, %rem3A_330, %sign3A_333 : i32
      %sign3A_335 = arith.extui %sign3A_334 : i1 to i32
      %sign3A_336 = arith.constant 0 : i32
      %sign3A_337 = arith.cmpi slt, %rem3A_330, %sign3A_336 : i32
      %sign3A_338 = arith.extui %sign3A_337 : i1 to i32
      %sign3A_339 = arith.subi %sign3A_335, %sign3A_338 : i32
      %sign3A_340 = arith.constant 0 : i32
      %sign3A_341 = arith.cmpi sgt, %jit3A_331, %sign3A_340 : i32
      %sign3A_342 = arith.extui %sign3A_341 : i1 to i32
      %sign3A_343 = arith.constant 0 : i32
      %sign3A_344 = arith.cmpi slt, %jit3A_331, %sign3A_343 : i32
      %sign3A_345 = arith.extui %sign3A_344 : i1 to i32
      %sign3A_346 = arith.subi %sign3A_342, %sign3A_345 : i32
      %ne3A_347 = arith.cmpi ne, %sign3A_339, %sign3A_346 : i32
      %rem3A_348 = arith.remsi %rem3A_330, %jit3A_331 : i32
      %ne3A_349 = arith.constant 0 : i32
      %ne3A_350 = arith.cmpi ne, %rem3A_348, %ne3A_349 : i32
      %and3A_351 = arith.andi %ne3A_347, %ne3A_350 : i1
      %sub3A_352 = arith.constant 1 : i32
      %sub3A_353 = arith.subi %div3A_332, %sub3A_352 : i32
      %select_n3A_354 = arith.select %and3A_351, %sub3A_353, %div3A_332 : i32
      %eq3A_355 = arith.cmpi eq, %select_n3A_354, %select_n3A : i32
      %select_n3A_356 = arith.select %eq3A_355, %broadcast_in_dim3A_17, %broadcast_in_dim3A_19 : vector<16xi32>
      %mul3A_357 = arith.constant 16 : i32
      %mul3A_358 = arith.muli %scan3A_328, %mul3A_357 : i32
      %swap3A_359 = arith.index_cast %mul3A_358 : i32 to index
      %swap3A_360 = tpu.vector_load %arg3[%swap3A_359] {strides = array<i32>} : memref<16384xi32, #tpu.memory_space<vmem>>, vector<16xi32>,
      %swap3A_361 = vector.shape_cast %swap3A_360 : vector<16xi32> to vector<16xi32>
      %swap3A_362 = vector.shape_cast %select_n3A_356 : vector<16xi32> to vector<16xi32>
      tpu.vector_store %arg3[%swap3A_359], %swap3A_362 {strides = array<i32>} : memref<16384xi32, #tpu.memory_space<vmem>>, vector<16xi32>,
      %scan3A_363 = arith.constant 0 : i32
      %scan3A_364 = arith.constant 4 : i32
      %scan3A_365 = arith.addi %scan3A_218, %scan3A_364 : i32
      %rem3A_366 = arith.constant 32 : i32
      %rem3A_367 = arith.remsi %scan3A_365, %rem3A_366 : i32
      %jit3A_368 = arith.constant 8 : i32
      %div3A_369 = arith.divsi %rem3A_367, %jit3A_368 : i32
      %sign3A_370 = arith.constant 0 : i32
      %sign3A_371 = arith.cmpi sgt, %rem3A_367, %sign3A_370 : i32
      %sign3A_372 = arith.extui %sign3A_371 : i1 to i32
      %sign3A_373 = arith.constant 0 : i32
      %sign3A_374 = arith.cmpi slt, %rem3A_367, %sign3A_373 : i32
      %sign3A_375 = arith.extui %sign3A_374 : i1 to i32
      %sign3A_376 = arith.subi %sign3A_372, %sign3A_375 : i32
      %sign3A_377 = arith.constant 0 : i32
      %sign3A_378 = arith.cmpi sgt, %jit3A_368, %sign3A_377 : i32
      %sign3A_379 = arith.extui %sign3A_378 : i1 to i32
      %sign3A_380 = arith.constant 0 : i32
      %sign3A_381 = arith.cmpi slt, %jit3A_368, %sign3A_380 : i32
      %sign3A_382 = arith.extui %sign3A_381 : i1 to i32
      %sign3A_383 = arith.subi %sign3A_379, %sign3A_382 : i32
      %ne3A_384 = arith.cmpi ne, %sign3A_376, %sign3A_383 : i32
      %rem3A_385 = arith.remsi %rem3A_367, %jit3A_368 : i32
      %ne3A_386 = arith.constant 0 : i32
      %ne3A_387 = arith.cmpi ne, %rem3A_385, %ne3A_386 : i32
      %and3A_388 = arith.andi %ne3A_384, %ne3A_387 : i1
      %sub3A_389 = arith.constant 1 : i32
      %sub3A_390 = arith.subi %div3A_369, %sub3A_389 : i32
      %select_n3A_391 = arith.select %and3A_388, %sub3A_390, %div3A_369 : i32
      %eq3A_392 = arith.cmpi eq, %select_n3A_391, %select_n3A : i32
      %select_n3A_393 = arith.select %eq3A_392, %broadcast_in_dim3A_17, %broadcast_in_dim3A_19 : vector<16xi32>
      %mul3A_394 = arith.constant 16 : i32
      %mul3A_395 = arith.muli %scan3A_365, %mul3A_394 : i32
      %swap3A_396 = arith.index_cast %mul3A_395 : i32 to index
      %swap3A_397 = tpu.vector_load %arg3[%swap3A_396] {strides = array<i32>} : memref<16384xi32, #tpu.memory_space<vmem>>, vector<16xi32>,
      %swap3A_398 = vector.shape_cast %swap3A_397 : vector<16xi32> to vector<16xi32>
      %swap3A_399 = vector.shape_cast %select_n3A_393 : vector<16xi32> to vector<16xi32>
      tpu.vector_store %arg3[%swap3A_396], %swap3A_399 {strides = array<i32>} : memref<16384xi32, #tpu.memory_space<vmem>>, vector<16xi32>,
      %scan3A_400 = arith.constant 0 : i32
      %scan3A_401 = arith.constant 5 : i32
      %scan3A_402 = arith.addi %scan3A_218, %scan3A_401 : i32
      %rem3A_403 = arith.constant 32 : i32
      %rem3A_404 = arith.remsi %scan3A_402, %rem3A_403 : i32
      %jit3A_405 = arith.constant 8 : i32
      %div3A_406 = arith.divsi %rem3A_404, %jit3A_405 : i32
      %sign3A_407 = arith.constant 0 : i32
      %sign3A_408 = arith.cmpi sgt, %rem3A_404, %sign3A_407 : i32
      %sign3A_409 = arith.extui %sign3A_408 : i1 to i32
      %sign3A_410 = arith.constant 0 : i32
      %sign3A_411 = arith.cmpi slt, %rem3A_404, %sign3A_410 : i32
      %sign3A_412 = arith.extui %sign3A_411 : i1 to i32
      %sign3A_413 = arith.subi %sign3A_409, %sign3A_412 : i32
      %sign3A_414 = arith.constant 0 : i32
      %sign3A_415 = arith.cmpi sgt, %jit3A_405, %sign3A_414 : i32
      %sign3A_416 = arith.extui %sign3A_415 : i1 to i32
      %sign3A_417 = arith.constant 0 : i32
      %sign3A_418 = arith.cmpi slt, %jit3A_405, %sign3A_417 : i32
      %sign3A_419 = arith.extui %sign3A_418 : i1 to i32
      %sign3A_420 = arith.subi %sign3A_416, %sign3A_419 : i32
      %ne3A_421 = arith.cmpi ne, %sign3A_413, %sign3A_420 : i32
      %rem3A_422 = arith.remsi %rem3A_404, %jit3A_405 : i32
      %ne3A_423 = arith.constant 0 : i32
      %ne3A_424 = arith.cmpi ne, %rem3A_422, %ne3A_423 : i32
      %and3A_425 = arith.andi %ne3A_421, %ne3A_424 : i1
      %sub3A_426 = arith.constant 1 : i32
      %sub3A_427 = arith.subi %div3A_406, %sub3A_426 : i32
      %select_n3A_428 = arith.select %and3A_425, %sub3A_427, %div3A_406 : i32
      %eq3A_429 = arith.cmpi eq, %select_n3A_428, %select_n3A : i32
      %select_n3A_430 = arith.select %eq3A_429, %broadcast_in_dim3A_17, %broadcast_in_dim3A_19 : vector<16xi32>
      %mul3A_431 = arith.constant 16 : i32
      %mul3A_432 = arith.muli %scan3A_402, %mul3A_431 : i32
      %swap3A_433 = arith.index_cast %mul3A_432 : i32 to index
      %swap3A_434 = tpu.vector_load %arg3[%swap3A_433] {strides = array<i32>} : memref<16384xi32, #tpu.memory_space<vmem>>, vector<16xi32>,
      %swap3A_435 = vector.shape_cast %swap3A_434 : vector<16xi32> to vector<16xi32>
      %swap3A_436 = vector.shape_cast %select_n3A_430 : vector<16xi32> to vector<16xi32>
      tpu.vector_store %arg3[%swap3A_433], %swap3A_436 {strides = array<i32>} : memref<16384xi32, #tpu.memory_space<vmem>>, vector<16xi32>,
      %scan3A_437 = arith.constant 0 : i32
      %scan3A_438 = arith.constant 6 : i32
      %scan3A_439 = arith.addi %scan3A_218, %scan3A_438 : i32
      %rem3A_440 = arith.constant 32 : i32
      %rem3A_441 = arith.remsi %scan3A_439, %rem3A_440 : i32
      %jit3A_442 = arith.constant 8 : i32
      %div3A_443 = arith.divsi %rem3A_441, %jit3A_442 : i32
      %sign3A_444 = arith.constant 0 : i32
      %sign3A_445 = arith.cmpi sgt, %rem3A_441, %sign3A_444 : i32
      %sign3A_446 = arith.extui %sign3A_445 : i1 to i32
      %sign3A_447 = arith.constant 0 : i32
      %sign3A_448 = arith.cmpi slt, %rem3A_441, %sign3A_447 : i32
      %sign3A_449 = arith.extui %sign3A_448 : i1 to i32
      %sign3A_450 = arith.subi %sign3A_446, %sign3A_449 : i32
      %sign3A_451 = arith.constant 0 : i32
      %sign3A_452 = arith.cmpi sgt, %jit3A_442, %sign3A_451 : i32
      %sign3A_453 = arith.extui %sign3A_452 : i1 to i32
      %sign3A_454 = arith.constant 0 : i32
      %sign3A_455 = arith.cmpi slt, %jit3A_442, %sign3A_454 : i32
      %sign3A_456 = arith.extui %sign3A_455 : i1 to i32
      %sign3A_457 = arith.subi %sign3A_453, %sign3A_456 : i32
      %ne3A_458 = arith.cmpi ne, %sign3A_450, %sign3A_457 : i32
      %rem3A_459 = arith.remsi %rem3A_441, %jit3A_442 : i32
      %ne3A_460 = arith.constant 0 : i32
      %ne3A_461 = arith.cmpi ne, %rem3A_459, %ne3A_460 : i32
      %and3A_462 = arith.andi %ne3A_458, %ne3A_461 : i1
      %sub3A_463 = arith.constant 1 : i32
      %sub3A_464 = arith.subi %div3A_443, %sub3A_463 : i32
      %select_n3A_465 = arith.select %and3A_462, %sub3A_464, %div3A_443 : i32
      %eq3A_466 = arith.cmpi eq, %select_n3A_465, %select_n3A : i32
      %select_n3A_467 = arith.select %eq3A_466, %broadcast_in_dim3A_17, %broadcast_in_dim3A_19 : vector<16xi32>
      %mul3A_468 = arith.constant 16 : i32
      %mul3A_469 = arith.muli %scan3A_439, %mul3A_468 : i32
      %swap3A_470 = arith.index_cast %mul3A_469 : i32 to index
      %swap3A_471 = tpu.vector_load %arg3[%swap3A_470] {strides = array<i32>} : memref<16384xi32, #tpu.memory_space<vmem>>, vector<16xi32>,
      %swap3A_472 = vector.shape_cast %swap3A_471 : vector<16xi32> to vector<16xi32>
      %swap3A_473 = vector.shape_cast %select_n3A_467 : vector<16xi32> to vector<16xi32>
      tpu.vector_store %arg3[%swap3A_470], %swap3A_473 {strides = array<i32>} : memref<16384xi32, #tpu.memory_space<vmem>>, vector<16xi32>,
      %scan3A_474 = arith.constant 0 : i32
      %scan3A_475 = arith.constant 7 : i32
      %scan3A_476 = arith.addi %scan3A_218, %scan3A_475 : i32
      %rem3A_477 = arith.constant 32 : i32
      %rem3A_478 = arith.remsi %scan3A_476, %rem3A_477 : i32
      %jit3A_479 = arith.constant 8 : i32
      %div3A_480 = arith.divsi %rem3A_478, %jit3A_479 : i32
      %sign3A_481 = arith.constant 0 : i32
      %sign3A_482 = arith.cmpi sgt, %rem3A_478, %sign3A_481 : i32
      %sign3A_483 = arith.extui %sign3A_482 : i1 to i32
      %sign3A_484 = arith.constant 0 : i32
      %sign3A_485 = arith.cmpi slt, %rem3A_478, %sign3A_484 : i32
      %sign3A_486 = arith.extui %sign3A_485 : i1 to i32
      %sign3A_487 = arith.subi %sign3A_483, %sign3A_486 : i32
      %sign3A_488 = arith.constant 0 : i32
      %sign3A_489 = arith.cmpi sgt, %jit3A_479, %sign3A_488 : i32
      %sign3A_490 = arith.extui %sign3A_489 : i1 to i32
      %sign3A_491 = arith.constant 0 : i32
      %sign3A_492 = arith.cmpi slt, %jit3A_479, %sign3A_491 : i32
      %sign3A_493 = arith.extui %sign3A_492 : i1 to i32
      %sign3A_494 = arith.subi %sign3A_490, %sign3A_493 : i32
      %ne3A_495 = arith.cmpi ne, %sign3A_487, %sign3A_494 : i32
      %rem3A_496 = arith.remsi %rem3A_478, %jit3A_479 : i32
      %ne3A_497 = arith.constant 0 : i32
      %ne3A_498 = arith.cmpi ne, %rem3A_496, %ne3A_497 : i32
      %and3A_499 = arith.andi %ne3A_495, %ne3A_498 : i1
      %sub3A_500 = arith.constant 1 : i32
      %sub3A_501 = arith.subi %div3A_480, %sub3A_500 : i32
      %select_n3A_502 = arith.select %and3A_499, %sub3A_501, %div3A_480 : i32
      %eq3A_503 = arith.cmpi eq, %select_n3A_502, %select_n3A : i32
      %select_n3A_504 = arith.select %eq3A_503, %broadcast_in_dim3A_17, %broadcast_in_dim3A_19 : vector<16xi32>
      %mul3A_505 = arith.constant 16 : i32
      %mul3A_506 = arith.muli %scan3A_476, %mul3A_505 : i32
      %swap3A_507 = arith.index_cast %mul3A_506 : i32 to index
      %swap3A_508 = tpu.vector_load %arg3[%swap3A_507] {strides = array<i32>} : memref<16384xi32, #tpu.memory_space<vmem>>, vector<16xi32>,
      %swap3A_509 = vector.shape_cast %swap3A_508 : vector<16xi32> to vector<16xi32>
      %swap3A_510 = vector.shape_cast %select_n3A_504 : vector<16xi32> to vector<16xi32>
      tpu.vector_store %arg3[%swap3A_507], %swap3A_510 {strides = array<i32>} : memref<16384xi32, #tpu.memory_space<vmem>>, vector<16xi32>,
      %scan3A_511 = arith.constant 0 : i32
      scf.yield %scan3A_511 : i32
    }
    %scan3A_25 = arith.constant 1024 : i32
    %mul3A_26 = arith.constant 524288 : i32
    %mul3A_27 = arith.muli %add3A, %mul3A_26 : i32
    %add3A_28 = arith.constant 0 : i32
    %add3A_29 = arith.addi %mul3A_27, %add3A_28 : i32
    %add3A_30 = arith.constant 16384 : i32
    %add3A_31 = arith.addi %mul3A_27, %add3A_30 : i32
    %add3A_32 = arith.constant 32768 : i32
    %add3A_33 = arith.addi %mul3A_27, %add3A_32 : i32
    %add3A_34 = arith.constant 49152 : i32
    %add3A_35 = arith.addi %mul3A_27, %add3A_34 : i32
    %add3A_36 = arith.constant 65536 : i32
    %add3A_37 = arith.addi %mul3A_27, %add3A_36 : i32
    %add3A_38 = arith.constant 81920 : i32
    %add3A_39 = arith.addi %mul3A_27, %add3A_38 : i32
    %add3A_40 = arith.constant 98304 : i32
    %add3A_41 = arith.addi %mul3A_27, %add3A_40 : i32
    %add3A_42 = arith.constant 114688 : i32
    %add3A_43 = arith.addi %mul3A_27, %add3A_42 : i32
    %add3A_44 = arith.constant 131072 : i32
    %add3A_45 = arith.addi %mul3A_27, %add3A_44 : i32
    %add3A_46 = arith.constant 147456 : i32
    %add3A_47 = arith.addi %mul3A_27, %add3A_46 : i32
    %add3A_48 = arith.constant 163840 : i32
    %add3A_49 = arith.addi %mul3A_27, %add3A_48 : i32
    %add3A_50 = arith.constant 180224 : i32
    %add3A_51 = arith.addi %mul3A_27, %add3A_50 : i32
    %add3A_52 = arith.constant 196608 : i32
    %add3A_53 = arith.addi %mul3A_27, %add3A_52 : i32
    %add3A_54 = arith.constant 212992 : i32
    %add3A_55 = arith.addi %mul3A_27, %add3A_54 : i32
    %add3A_56 = arith.constant 229376 : i32
    %add3A_57 = arith.addi %mul3A_27, %add3A_56 : i32
    %add3A_58 = arith.constant 245760 : i32
    %add3A_59 = arith.addi %mul3A_27, %add3A_58 : i32
    %add3A_60 = arith.constant 262144 : i32
    %add3A_61 = arith.addi %mul3A_27, %add3A_60 : i32
    %add3A_62 = arith.constant 278528 : i32
    %add3A_63 = arith.addi %mul3A_27, %add3A_62 : i32
    %add3A_64 = arith.constant 294912 : i32
    %add3A_65 = arith.addi %mul3A_27, %add3A_64 : i32
    %add3A_66 = arith.constant 311296 : i32
    %add3A_67 = arith.addi %mul3A_27, %add3A_66 : i32
    %add3A_68 = arith.constant 327680 : i32
    %add3A_69 = arith.addi %mul3A_27, %add3A_68 : i32
    %add3A_70 = arith.constant 344064 : i32
    %add3A_71 = arith.addi %mul3A_27, %add3A_70 : i32
    %add3A_72 = arith.constant 360448 : i32
    %add3A_73 = arith.addi %mul3A_27, %add3A_72 : i32
    %add3A_74 = arith.constant 376832 : i32
    %add3A_75 = arith.addi %mul3A_27, %add3A_74 : i32
    %add3A_76 = arith.constant 393216 : i32
    %add3A_77 = arith.addi %mul3A_27, %add3A_76 : i32
    %add3A_78 = arith.constant 409600 : i32
    %add3A_79 = arith.addi %mul3A_27, %add3A_78 : i32
    %add3A_80 = arith.constant 425984 : i32
    %add3A_81 = arith.addi %mul3A_27, %add3A_80 : i32
    %add3A_82 = arith.constant 442368 : i32
    %add3A_83 = arith.addi %mul3A_27, %add3A_82 : i32
    %add3A_84 = arith.constant 458752 : i32
    %add3A_85 = arith.addi %mul3A_27, %add3A_84 : i32
    %add3A_86 = arith.constant 475136 : i32
    %add3A_87 = arith.addi %mul3A_27, %add3A_86 : i32
    %add3A_88 = arith.constant 491520 : i32
    %add3A_89 = arith.addi %mul3A_27, %add3A_88 : i32
    %add3A_90 = arith.constant 507904 : i32
    %add3A_91 = arith.addi %mul3A_27, %add3A_90 : i32
    %dma_start3A = tpu.memref_slice %arg2[%add3A_29] : memref<16777216xi32, #tpu.memory_space<hbm>> -> memref<16384xi32, #tpu.memory_space<hbm>>
    %dma_start3A_92 = tpu.memref_slice %arg2[%add3A_29] : memref<16777216xi32, #tpu.memory_space<hbm>> -> memref<16384xi32, #tpu.memory_space<hbm>>
    tpu.enqueue_dma source(%arg3 : memref<16384xi32, #tpu.memory_space<vmem>>) target(%dma_start3A_92 : memref<16384xi32, #tpu.memory_space<hbm>>) target_semaphore(%arg4 : memref<!tpu.dma_semaphore, #tpu.memory_space<semaphore_mem>>)
    %dma_start3A_93 = tpu.memref_slice %arg2[%add3A_31] : memref<16777216xi32, #tpu.memory_space<hbm>> -> memref<16384xi32, #tpu.memory_space<hbm>>
    %dma_start3A_94 = tpu.memref_slice %arg2[%add3A_31] : memref<16777216xi32, #tpu.memory_space<hbm>> -> memref<16384xi32, #tpu.memory_space<hbm>>
    tpu.enqueue_dma source(%arg3 : memref<16384xi32, #tpu.memory_space<vmem>>) target(%dma_start3A_94 : memref<16384xi32, #tpu.memory_space<hbm>>) target_semaphore(%arg4 : memref<!tpu.dma_semaphore, #tpu.memory_space<semaphore_mem>>)
    %dma_start3A_95 = tpu.memref_slice %arg2[%add3A_33] : memref<16777216xi32, #tpu.memory_space<hbm>> -> memref<16384xi32, #tpu.memory_space<hbm>>
    %dma_start3A_96 = tpu.memref_slice %arg2[%add3A_33] : memref<16777216xi32, #tpu.memory_space<hbm>> -> memref<16384xi32, #tpu.memory_space<hbm>>
    tpu.enqueue_dma source(%arg3 : memref<16384xi32, #tpu.memory_space<vmem>>) target(%dma_start3A_96 : memref<16384xi32, #tpu.memory_space<hbm>>) target_semaphore(%arg4 : memref<!tpu.dma_semaphore, #tpu.memory_space<semaphore_mem>>)
    %dma_start3A_97 = tpu.memref_slice %arg2[%add3A_35] : memref<16777216xi32, #tpu.memory_space<hbm>> -> memref<16384xi32, #tpu.memory_space<hbm>>
    %dma_start3A_98 = tpu.memref_slice %arg2[%add3A_35] : memref<16777216xi32, #tpu.memory_space<hbm>> -> memref<16384xi32, #tpu.memory_space<hbm>>
    tpu.enqueue_dma source(%arg3 : memref<16384xi32, #tpu.memory_space<vmem>>) target(%dma_start3A_98 : memref<16384xi32, #tpu.memory_space<hbm>>) target_semaphore(%arg4 : memref<!tpu.dma_semaphore, #tpu.memory_space<semaphore_mem>>)
    %dma_start3A_99 = tpu.memref_slice %arg2[%add3A_37] : memref<16777216xi32, #tpu.memory_space<hbm>> -> memref<16384xi32, #tpu.memory_space<hbm>>
    %dma_start3A_100 = tpu.memref_slice %arg2[%add3A_37] : memref<16777216xi32, #tpu.memory_space<hbm>> -> memref<16384xi32, #tpu.memory_space<hbm>>
    tpu.enqueue_dma source(%arg3 : memref<16384xi32, #tpu.memory_space<vmem>>) target(%dma_start3A_100 : memref<16384xi32, #tpu.memory_space<hbm>>) target_semaphore(%arg4 : memref<!tpu.dma_semaphore, #tpu.memory_space<semaphore_mem>>)
    %dma_start3A_101 = tpu.memref_slice %arg2[%add3A_39] : memref<16777216xi32, #tpu.memory_space<hbm>> -> memref<16384xi32, #tpu.memory_space<hbm>>
    %dma_start3A_102 = tpu.memref_slice %arg2[%add3A_39] : memref<16777216xi32, #tpu.memory_space<hbm>> -> memref<16384xi32, #tpu.memory_space<hbm>>
    tpu.enqueue_dma source(%arg3 : memref<16384xi32, #tpu.memory_space<vmem>>) target(%dma_start3A_102 : memref<16384xi32, #tpu.memory_space<hbm>>) target_semaphore(%arg4 : memref<!tpu.dma_semaphore, #tpu.memory_space<semaphore_mem>>)
    %dma_start3A_103 = tpu.memref_slice %arg2[%add3A_41] : memref<16777216xi32, #tpu.memory_space<hbm>> -> memref<16384xi32, #tpu.memory_space<hbm>>
    %dma_start3A_104 = tpu.memref_slice %arg2[%add3A_41] : memref<16777216xi32, #tpu.memory_space<hbm>> -> memref<16384xi32, #tpu.memory_space<hbm>>
    tpu.enqueue_dma source(%arg3 : memref<16384xi32, #tpu.memory_space<vmem>>) target(%dma_start3A_104 : memref<16384xi32, #tpu.memory_space<hbm>>) target_semaphore(%arg4 : memref<!tpu.dma_semaphore, #tpu.memory_space<semaphore_mem>>)
    %dma_start3A_105 = tpu.memref_slice %arg2[%add3A_43] : memref<16777216xi32, #tpu.memory_space<hbm>> -> memref<16384xi32, #tpu.memory_space<hbm>>
    %dma_start3A_106 = tpu.memref_slice %arg2[%add3A_43] : memref<16777216xi32, #tpu.memory_space<hbm>> -> memref<16384xi32, #tpu.memory_space<hbm>>
    tpu.enqueue_dma source(%arg3 : memref<16384xi32, #tpu.memory_space<vmem>>) target(%dma_start3A_106 : memref<16384xi32, #tpu.memory_space<hbm>>) target_semaphore(%arg4 : memref<!tpu.dma_semaphore, #tpu.memory_space<semaphore_mem>>)
    %dma_start3A_107 = tpu.memref_slice %arg2[%add3A_45] : memref<16777216xi32, #tpu.memory_space<hbm>> -> memref<16384xi32, #tpu.memory_space<hbm>>
    %dma_start3A_108 = tpu.memref_slice %arg2[%add3A_45] : memref<16777216xi32, #tpu.memory_space<hbm>> -> memref<16384xi32, #tpu.memory_space<hbm>>
    tpu.enqueue_dma source(%arg3 : memref<16384xi32, #tpu.memory_space<vmem>>) target(%dma_start3A_108 : memref<16384xi32, #tpu.memory_space<hbm>>) target_semaphore(%arg4 : memref<!tpu.dma_semaphore, #tpu.memory_space<semaphore_mem>>)
    %dma_start3A_109 = tpu.memref_slice %arg2[%add3A_47] : memref<16777216xi32, #tpu.memory_space<hbm>> -> memref<16384xi32, #tpu.memory_space<hbm>>
    %dma_start3A_110 = tpu.memref_slice %arg2[%add3A_47] : memref<16777216xi32, #tpu.memory_space<hbm>> -> memref<16384xi32, #tpu.memory_space<hbm>>
    tpu.enqueue_dma source(%arg3 : memref<16384xi32, #tpu.memory_space<vmem>>) target(%dma_start3A_110 : memref<16384xi32, #tpu.memory_space<hbm>>) target_semaphore(%arg4 : memref<!tpu.dma_semaphore, #tpu.memory_space<semaphore_mem>>)
    %dma_start3A_111 = tpu.memref_slice %arg2[%add3A_49] : memref<16777216xi32, #tpu.memory_space<hbm>> -> memref<16384xi32, #tpu.memory_space<hbm>>
    %dma_start3A_112 = tpu.memref_slice %arg2[%add3A_49] : memref<16777216xi32, #tpu.memory_space<hbm>> -> memref<16384xi32, #tpu.memory_space<hbm>>
    tpu.enqueue_dma source(%arg3 : memref<16384xi32, #tpu.memory_space<vmem>>) target(%dma_start3A_112 : memref<16384xi32, #tpu.memory_space<hbm>>) target_semaphore(%arg4 : memref<!tpu.dma_semaphore, #tpu.memory_space<semaphore_mem>>)
    %dma_start3A_113 = tpu.memref_slice %arg2[%add3A_51] : memref<16777216xi32, #tpu.memory_space<hbm>> -> memref<16384xi32, #tpu.memory_space<hbm>>
    %dma_start3A_114 = tpu.memref_slice %arg2[%add3A_51] : memref<16777216xi32, #tpu.memory_space<hbm>> -> memref<16384xi32, #tpu.memory_space<hbm>>
    tpu.enqueue_dma source(%arg3 : memref<16384xi32, #tpu.memory_space<vmem>>) target(%dma_start3A_114 : memref<16384xi32, #tpu.memory_space<hbm>>) target_semaphore(%arg4 : memref<!tpu.dma_semaphore, #tpu.memory_space<semaphore_mem>>)
    %dma_start3A_115 = tpu.memref_slice %arg2[%add3A_53] : memref<16777216xi32, #tpu.memory_space<hbm>> -> memref<16384xi32, #tpu.memory_space<hbm>>
    %dma_start3A_116 = tpu.memref_slice %arg2[%add3A_53] : memref<16777216xi32, #tpu.memory_space<hbm>> -> memref<16384xi32, #tpu.memory_space<hbm>>
    tpu.enqueue_dma source(%arg3 : memref<16384xi32, #tpu.memory_space<vmem>>) target(%dma_start3A_116 : memref<16384xi32, #tpu.memory_space<hbm>>) target_semaphore(%arg4 : memref<!tpu.dma_semaphore, #tpu.memory_space<semaphore_mem>>)
    %dma_start3A_117 = tpu.memref_slice %arg2[%add3A_55] : memref<16777216xi32, #tpu.memory_space<hbm>> -> memref<16384xi32, #tpu.memory_space<hbm>>
    %dma_start3A_118 = tpu.memref_slice %arg2[%add3A_55] : memref<16777216xi32, #tpu.memory_space<hbm>> -> memref<16384xi32, #tpu.memory_space<hbm>>
    tpu.enqueue_dma source(%arg3 : memref<16384xi32, #tpu.memory_space<vmem>>) target(%dma_start3A_118 : memref<16384xi32, #tpu.memory_space<hbm>>) target_semaphore(%arg4 : memref<!tpu.dma_semaphore, #tpu.memory_space<semaphore_mem>>)
    %dma_start3A_119 = tpu.memref_slice %arg2[%add3A_57] : memref<16777216xi32, #tpu.memory_space<hbm>> -> memref<16384xi32, #tpu.memory_space<hbm>>
    %dma_start3A_120 = tpu.memref_slice %arg2[%add3A_57] : memref<16777216xi32, #tpu.memory_space<hbm>> -> memref<16384xi32, #tpu.memory_space<hbm>>
    tpu.enqueue_dma source(%arg3 : memref<16384xi32, #tpu.memory_space<vmem>>) target(%dma_start3A_120 : memref<16384xi32, #tpu.memory_space<hbm>>) target_semaphore(%arg4 : memref<!tpu.dma_semaphore, #tpu.memory_space<semaphore_mem>>)
    %dma_start3A_121 = tpu.memref_slice %arg2[%add3A_59] : memref<16777216xi32, #tpu.memory_space<hbm>> -> memref<16384xi32, #tpu.memory_space<hbm>>
    %dma_start3A_122 = tpu.memref_slice %arg2[%add3A_59] : memref<16777216xi32, #tpu.memory_space<hbm>> -> memref<16384xi32, #tpu.memory_space<hbm>>
    tpu.enqueue_dma source(%arg3 : memref<16384xi32, #tpu.memory_space<vmem>>) target(%dma_start3A_122 : memref<16384xi32, #tpu.memory_space<hbm>>) target_semaphore(%arg4 : memref<!tpu.dma_semaphore, #tpu.memory_space<semaphore_mem>>)
    %dma_start3A_123 = tpu.memref_slice %arg2[%add3A_61] : memref<16777216xi32, #tpu.memory_space<hbm>> -> memref<16384xi32, #tpu.memory_space<hbm>>
    %dma_start3A_124 = tpu.memref_slice %arg2[%add3A_61] : memref<16777216xi32, #tpu.memory_space<hbm>> -> memref<16384xi32, #tpu.memory_space<hbm>>
    tpu.enqueue_dma source(%arg3 : memref<16384xi32, #tpu.memory_space<vmem>>) target(%dma_start3A_124 : memref<16384xi32, #tpu.memory_space<hbm>>) target_semaphore(%arg4 : memref<!tpu.dma_semaphore, #tpu.memory_space<semaphore_mem>>)
    %dma_start3A_125 = tpu.memref_slice %arg2[%add3A_63] : memref<16777216xi32, #tpu.memory_space<hbm>> -> memref<16384xi32, #tpu.memory_space<hbm>>
    %dma_start3A_126 = tpu.memref_slice %arg2[%add3A_63] : memref<16777216xi32, #tpu.memory_space<hbm>> -> memref<16384xi32, #tpu.memory_space<hbm>>
    tpu.enqueue_dma source(%arg3 : memref<16384xi32, #tpu.memory_space<vmem>>) target(%dma_start3A_126 : memref<16384xi32, #tpu.memory_space<hbm>>) target_semaphore(%arg4 : memref<!tpu.dma_semaphore, #tpu.memory_space<semaphore_mem>>)
    %dma_start3A_127 = tpu.memref_slice %arg2[%add3A_65] : memref<16777216xi32, #tpu.memory_space<hbm>> -> memref<16384xi32, #tpu.memory_space<hbm>>
    %dma_start3A_128 = tpu.memref_slice %arg2[%add3A_65] : memref<16777216xi32, #tpu.memory_space<hbm>> -> memref<16384xi32, #tpu.memory_space<hbm>>
    tpu.enqueue_dma source(%arg3 : memref<16384xi32, #tpu.memory_space<vmem>>) target(%dma_start3A_128 : memref<16384xi32, #tpu.memory_space<hbm>>) target_semaphore(%arg4 : memref<!tpu.dma_semaphore, #tpu.memory_space<semaphore_mem>>)
    %dma_start3A_129 = tpu.memref_slice %arg2[%add3A_67] : memref<16777216xi32, #tpu.memory_space<hbm>> -> memref<16384xi32, #tpu.memory_space<hbm>>
    %dma_start3A_130 = tpu.memref_slice %arg2[%add3A_67] : memref<16777216xi32, #tpu.memory_space<hbm>> -> memref<16384xi32, #tpu.memory_space<hbm>>
    tpu.enqueue_dma source(%arg3 : memref<16384xi32, #tpu.memory_space<vmem>>) target(%dma_start3A_130 : memref<16384xi32, #tpu.memory_space<hbm>>) target_semaphore(%arg4 : memref<!tpu.dma_semaphore, #tpu.memory_space<semaphore_mem>>)
    %dma_start3A_131 = tpu.memref_slice %arg2[%add3A_69] : memref<16777216xi32, #tpu.memory_space<hbm>> -> memref<16384xi32, #tpu.memory_space<hbm>>
    %dma_start3A_132 = tpu.memref_slice %arg2[%add3A_69] : memref<16777216xi32, #tpu.memory_space<hbm>> -> memref<16384xi32, #tpu.memory_space<hbm>>
    tpu.enqueue_dma source(%arg3 : memref<16384xi32, #tpu.memory_space<vmem>>) target(%dma_start3A_132 : memref<16384xi32, #tpu.memory_space<hbm>>) target_semaphore(%arg4 : memref<!tpu.dma_semaphore, #tpu.memory_space<semaphore_mem>>)
    %dma_start3A_133 = tpu.memref_slice %arg2[%add3A_71] : memref<16777216xi32, #tpu.memory_space<hbm>> -> memref<16384xi32, #tpu.memory_space<hbm>>
    %dma_start3A_134 = tpu.memref_slice %arg2[%add3A_71] : memref<16777216xi32, #tpu.memory_space<hbm>> -> memref<16384xi32, #tpu.memory_space<hbm>>
    tpu.enqueue_dma source(%arg3 : memref<16384xi32, #tpu.memory_space<vmem>>) target(%dma_start3A_134 : memref<16384xi32, #tpu.memory_space<hbm>>) target_semaphore(%arg4 : memref<!tpu.dma_semaphore, #tpu.memory_space<semaphore_mem>>)
    %dma_start3A_135 = tpu.memref_slice %arg2[%add3A_73] : memref<16777216xi32, #tpu.memory_space<hbm>> -> memref<16384xi32, #tpu.memory_space<hbm>>
    %dma_start3A_136 = tpu.memref_slice %arg2[%add3A_73] : memref<16777216xi32, #tpu.memory_space<hbm>> -> memref<16384xi32, #tpu.memory_space<hbm>>
    tpu.enqueue_dma source(%arg3 : memref<16384xi32, #tpu.memory_space<vmem>>) target(%dma_start3A_136 : memref<16384xi32, #tpu.memory_space<hbm>>) target_semaphore(%arg4 : memref<!tpu.dma_semaphore, #tpu.memory_space<semaphore_mem>>)
    %dma_start3A_137 = tpu.memref_slice %arg2[%add3A_75] : memref<16777216xi32, #tpu.memory_space<hbm>> -> memref<16384xi32, #tpu.memory_space<hbm>>
    %dma_start3A_138 = tpu.memref_slice %arg2[%add3A_75] : memref<16777216xi32, #tpu.memory_space<hbm>> -> memref<16384xi32, #tpu.memory_space<hbm>>
    tpu.enqueue_dma source(%arg3 : memref<16384xi32, #tpu.memory_space<vmem>>) target(%dma_start3A_138 : memref<16384xi32, #tpu.memory_space<hbm>>) target_semaphore(%arg4 : memref<!tpu.dma_semaphore, #tpu.memory_space<semaphore_mem>>)
    %dma_start3A_139 = tpu.memref_slice %arg2[%add3A_77] : memref<16777216xi32, #tpu.memory_space<hbm>> -> memref<16384xi32, #tpu.memory_space<hbm>>
    %dma_start3A_140 = tpu.memref_slice %arg2[%add3A_77] : memref<16777216xi32, #tpu.memory_space<hbm>> -> memref<16384xi32, #tpu.memory_space<hbm>>
    tpu.enqueue_dma source(%arg3 : memref<16384xi32, #tpu.memory_space<vmem>>) target(%dma_start3A_140 : memref<16384xi32, #tpu.memory_space<hbm>>) target_semaphore(%arg4 : memref<!tpu.dma_semaphore, #tpu.memory_space<semaphore_mem>>)
    %dma_start3A_141 = tpu.memref_slice %arg2[%add3A_79] : memref<16777216xi32, #tpu.memory_space<hbm>> -> memref<16384xi32, #tpu.memory_space<hbm>>
    %dma_start3A_142 = tpu.memref_slice %arg2[%add3A_79] : memref<16777216xi32, #tpu.memory_space<hbm>> -> memref<16384xi32, #tpu.memory_space<hbm>>
    tpu.enqueue_dma source(%arg3 : memref<16384xi32, #tpu.memory_space<vmem>>) target(%dma_start3A_142 : memref<16384xi32, #tpu.memory_space<hbm>>) target_semaphore(%arg4 : memref<!tpu.dma_semaphore, #tpu.memory_space<semaphore_mem>>)
    %dma_start3A_143 = tpu.memref_slice %arg2[%add3A_81] : memref<16777216xi32, #tpu.memory_space<hbm>> -> memref<16384xi32, #tpu.memory_space<hbm>>
    %dma_start3A_144 = tpu.memref_slice %arg2[%add3A_81] : memref<16777216xi32, #tpu.memory_space<hbm>> -> memref<16384xi32, #tpu.memory_space<hbm>>
    tpu.enqueue_dma source(%arg3 : memref<16384xi32, #tpu.memory_space<vmem>>) target(%dma_start3A_144 : memref<16384xi32, #tpu.memory_space<hbm>>) target_semaphore(%arg4 : memref<!tpu.dma_semaphore, #tpu.memory_space<semaphore_mem>>)
    %dma_start3A_145 = tpu.memref_slice %arg2[%add3A_83] : memref<16777216xi32, #tpu.memory_space<hbm>> -> memref<16384xi32, #tpu.memory_space<hbm>>
    %dma_start3A_146 = tpu.memref_slice %arg2[%add3A_83] : memref<16777216xi32, #tpu.memory_space<hbm>> -> memref<16384xi32, #tpu.memory_space<hbm>>
    tpu.enqueue_dma source(%arg3 : memref<16384xi32, #tpu.memory_space<vmem>>) target(%dma_start3A_146 : memref<16384xi32, #tpu.memory_space<hbm>>) target_semaphore(%arg4 : memref<!tpu.dma_semaphore, #tpu.memory_space<semaphore_mem>>)
    %dma_start3A_147 = tpu.memref_slice %arg2[%add3A_85] : memref<16777216xi32, #tpu.memory_space<hbm>> -> memref<16384xi32, #tpu.memory_space<hbm>>
    %dma_start3A_148 = tpu.memref_slice %arg2[%add3A_85] : memref<16777216xi32, #tpu.memory_space<hbm>> -> memref<16384xi32, #tpu.memory_space<hbm>>
    tpu.enqueue_dma source(%arg3 : memref<16384xi32, #tpu.memory_space<vmem>>) target(%dma_start3A_148 : memref<16384xi32, #tpu.memory_space<hbm>>) target_semaphore(%arg4 : memref<!tpu.dma_semaphore, #tpu.memory_space<semaphore_mem>>)
    %dma_start3A_149 = tpu.memref_slice %arg2[%add3A_87] : memref<16777216xi32, #tpu.memory_space<hbm>> -> memref<16384xi32, #tpu.memory_space<hbm>>
    %dma_start3A_150 = tpu.memref_slice %arg2[%add3A_87] : memref<16777216xi32, #tpu.memory_space<hbm>> -> memref<16384xi32, #tpu.memory_space<hbm>>
    tpu.enqueue_dma source(%arg3 : memref<16384xi32, #tpu.memory_space<vmem>>) target(%dma_start3A_150 : memref<16384xi32, #tpu.memory_space<hbm>>) target_semaphore(%arg4 : memref<!tpu.dma_semaphore, #tpu.memory_space<semaphore_mem>>)
    %dma_start3A_151 = tpu.memref_slice %arg2[%add3A_89] : memref<16777216xi32, #tpu.memory_space<hbm>> -> memref<16384xi32, #tpu.memory_space<hbm>>
    %dma_start3A_152 = tpu.memref_slice %arg2[%add3A_89] : memref<16777216xi32, #tpu.memory_space<hbm>> -> memref<16384xi32, #tpu.memory_space<hbm>>
    tpu.enqueue_dma source(%arg3 : memref<16384xi32, #tpu.memory_space<vmem>>) target(%dma_start3A_152 : memref<16384xi32, #tpu.memory_space<hbm>>) target_semaphore(%arg4 : memref<!tpu.dma_semaphore, #tpu.memory_space<semaphore_mem>>)
    %dma_start3A_153 = tpu.memref_slice %arg2[%add3A_91] : memref<16777216xi32, #tpu.memory_space<hbm>> -> memref<16384xi32, #tpu.memory_space<hbm>>
    %dma_start3A_154 = tpu.memref_slice %arg2[%add3A_91] : memref<16777216xi32, #tpu.memory_space<hbm>> -> memref<16384xi32, #tpu.memory_space<hbm>>
    tpu.enqueue_dma source(%arg3 : memref<16384xi32, #tpu.memory_space<vmem>>) target(%dma_start3A_154 : memref<16384xi32, #tpu.memory_space<hbm>>) target_semaphore(%arg4 : memref<!tpu.dma_semaphore, #tpu.memory_space<semaphore_mem>>)
    %dma_wait3A = tpu.memref_slice %arg2[%add3A_29] : memref<16777216xi32, #tpu.memory_space<hbm>> -> memref<16384xi32, #tpu.memory_space<hbm>>
    %dma_wait3A_155 = tpu.memref_slice %arg2[%add3A_29] : memref<16777216xi32, #tpu.memory_space<hbm>> -> memref<16384xi32, #tpu.memory_space<hbm>>
    tpu.wait_dma2 semaphore(%arg4 : memref<!tpu.dma_semaphore, #tpu.memory_space<semaphore_mem>>) src(%arg3 : memref<16384xi32, #tpu.memory_space<vmem>>) dst(%dma_wait3A_155 : memref<16384xi32, #tpu.memory_space<hbm>>)
    %dma_wait3A_156 = tpu.memref_slice %arg2[%add3A_31] : memref<16777216xi32, #tpu.memory_space<hbm>> -> memref<16384xi32, #tpu.memory_space<hbm>>
    %dma_wait3A_157 = tpu.memref_slice %arg2[%add3A_31] : memref<16777216xi32, #tpu.memory_space<hbm>> -> memref<16384xi32, #tpu.memory_space<hbm>>
    tpu.wait_dma2 semaphore(%arg4 : memref<!tpu.dma_semaphore, #tpu.memory_space<semaphore_mem>>) src(%arg3 : memref<16384xi32, #tpu.memory_space<vmem>>) dst(%dma_wait3A_157 : memref<16384xi32, #tpu.memory_space<hbm>>)
    %dma_wait3A_158 = tpu.memref_slice %arg2[%add3A_33] : memref<16777216xi32, #tpu.memory_space<hbm>> -> memref<16384xi32, #tpu.memory_space<hbm>>
    %dma_wait3A_159 = tpu.memref_slice %arg2[%add3A_33] : memref<16777216xi32, #tpu.memory_space<hbm>> -> memref<16384xi32, #tpu.memory_space<hbm>>
    tpu.wait_dma2 semaphore(%arg4 : memref<!tpu.dma_semaphore, #tpu.memory_space<semaphore_mem>>) src(%arg3 : memref<16384xi32, #tpu.memory_space<vmem>>) dst(%dma_wait3A_159 : memref<16384xi32, #tpu.memory_space<hbm>>)
    %dma_wait3A_160 = tpu.memref_slice %arg2[%add3A_35] : memref<16777216xi32, #tpu.memory_space<hbm>> -> memref<16384xi32, #tpu.memory_space<hbm>>
    %dma_wait3A_161 = tpu.memref_slice %arg2[%add3A_35] : memref<16777216xi32, #tpu.memory_space<hbm>> -> memref<16384xi32, #tpu.memory_space<hbm>>
    tpu.wait_dma2 semaphore(%arg4 : memref<!tpu.dma_semaphore, #tpu.memory_space<semaphore_mem>>) src(%arg3 : memref<16384xi32, #tpu.memory_space<vmem>>) dst(%dma_wait3A_161 : memref<16384xi32, #tpu.memory_space<hbm>>)
    %dma_wait3A_162 = tpu.memref_slice %arg2[%add3A_37] : memref<16777216xi32, #tpu.memory_space<hbm>> -> memref<16384xi32, #tpu.memory_space<hbm>>
    %dma_wait3A_163 = tpu.memref_slice %arg2[%add3A_37] : memref<16777216xi32, #tpu.memory_space<hbm>> -> memref<16384xi32, #tpu.memory_space<hbm>>
    tpu.wait_dma2 semaphore(%arg4 : memref<!tpu.dma_semaphore, #tpu.memory_space<semaphore_mem>>) src(%arg3 : memref<16384xi32, #tpu.memory_space<vmem>>) dst(%dma_wait3A_163 : memref<16384xi32, #tpu.memory_space<hbm>>)
    %dma_wait3A_164 = tpu.memref_slice %arg2[%add3A_39] : memref<16777216xi32, #tpu.memory_space<hbm>> -> memref<16384xi32, #tpu.memory_space<hbm>>
    %dma_wait3A_165 = tpu.memref_slice %arg2[%add3A_39] : memref<16777216xi32, #tpu.memory_space<hbm>> -> memref<16384xi32, #tpu.memory_space<hbm>>
    tpu.wait_dma2 semaphore(%arg4 : memref<!tpu.dma_semaphore, #tpu.memory_space<semaphore_mem>>) src(%arg3 : memref<16384xi32, #tpu.memory_space<vmem>>) dst(%dma_wait3A_165 : memref<16384xi32, #tpu.memory_space<hbm>>)
    %dma_wait3A_166 = tpu.memref_slice %arg2[%add3A_41] : memref<16777216xi32, #tpu.memory_space<hbm>> -> memref<16384xi32, #tpu.memory_space<hbm>>
    %dma_wait3A_167 = tpu.memref_slice %arg2[%add3A_41] : memref<16777216xi32, #tpu.memory_space<hbm>> -> memref<16384xi32, #tpu.memory_space<hbm>>
    tpu.wait_dma2 semaphore(%arg4 : memref<!tpu.dma_semaphore, #tpu.memory_space<semaphore_mem>>) src(%arg3 : memref<16384xi32, #tpu.memory_space<vmem>>) dst(%dma_wait3A_167 : memref<16384xi32, #tpu.memory_space<hbm>>)
    %dma_wait3A_168 = tpu.memref_slice %arg2[%add3A_43] : memref<16777216xi32, #tpu.memory_space<hbm>> -> memref<16384xi32, #tpu.memory_space<hbm>>
    %dma_wait3A_169 = tpu.memref_slice %arg2[%add3A_43] : memref<16777216xi32, #tpu.memory_space<hbm>> -> memref<16384xi32, #tpu.memory_space<hbm>>
    tpu.wait_dma2 semaphore(%arg4 : memref<!tpu.dma_semaphore, #tpu.memory_space<semaphore_mem>>) src(%arg3 : memref<16384xi32, #tpu.memory_space<vmem>>) dst(%dma_wait3A_169 : memref<16384xi32, #tpu.memory_space<hbm>>)
    %dma_wait3A_170 = tpu.memref_slice %arg2[%add3A_45] : memref<16777216xi32, #tpu.memory_space<hbm>> -> memref<16384xi32, #tpu.memory_space<hbm>>
    %dma_wait3A_171 = tpu.memref_slice %arg2[%add3A_45] : memref<16777216xi32, #tpu.memory_space<hbm>> -> memref<16384xi32, #tpu.memory_space<hbm>>
    tpu.wait_dma2 semaphore(%arg4 : memref<!tpu.dma_semaphore, #tpu.memory_space<semaphore_mem>>) src(%arg3 : memref<16384xi32, #tpu.memory_space<vmem>>) dst(%dma_wait3A_171 : memref<16384xi32, #tpu.memory_space<hbm>>)
    %dma_wait3A_172 = tpu.memref_slice %arg2[%add3A_47] : memref<16777216xi32, #tpu.memory_space<hbm>> -> memref<16384xi32, #tpu.memory_space<hbm>>
    %dma_wait3A_173 = tpu.memref_slice %arg2[%add3A_47] : memref<16777216xi32, #tpu.memory_space<hbm>> -> memref<16384xi32, #tpu.memory_space<hbm>>
    tpu.wait_dma2 semaphore(%arg4 : memref<!tpu.dma_semaphore, #tpu.memory_space<semaphore_mem>>) src(%arg3 : memref<16384xi32, #tpu.memory_space<vmem>>) dst(%dma_wait3A_173 : memref<16384xi32, #tpu.memory_space<hbm>>)
    %dma_wait3A_174 = tpu.memref_slice %arg2[%add3A_49] : memref<16777216xi32, #tpu.memory_space<hbm>> -> memref<16384xi32, #tpu.memory_space<hbm>>
    %dma_wait3A_175 = tpu.memref_slice %arg2[%add3A_49] : memref<16777216xi32, #tpu.memory_space<hbm>> -> memref<16384xi32, #tpu.memory_space<hbm>>
    tpu.wait_dma2 semaphore(%arg4 : memref<!tpu.dma_semaphore, #tpu.memory_space<semaphore_mem>>) src(%arg3 : memref<16384xi32, #tpu.memory_space<vmem>>) dst(%dma_wait3A_175 : memref<16384xi32, #tpu.memory_space<hbm>>)
    %dma_wait3A_176 = tpu.memref_slice %arg2[%add3A_51] : memref<16777216xi32, #tpu.memory_space<hbm>> -> memref<16384xi32, #tpu.memory_space<hbm>>
    %dma_wait3A_177 = tpu.memref_slice %arg2[%add3A_51] : memref<16777216xi32, #tpu.memory_space<hbm>> -> memref<16384xi32, #tpu.memory_space<hbm>>
    tpu.wait_dma2 semaphore(%arg4 : memref<!tpu.dma_semaphore, #tpu.memory_space<semaphore_mem>>) src(%arg3 : memref<16384xi32, #tpu.memory_space<vmem>>) dst(%dma_wait3A_177 : memref<16384xi32, #tpu.memory_space<hbm>>)
    %dma_wait3A_178 = tpu.memref_slice %arg2[%add3A_53] : memref<16777216xi32, #tpu.memory_space<hbm>> -> memref<16384xi32, #tpu.memory_space<hbm>>
    %dma_wait3A_179 = tpu.memref_slice %arg2[%add3A_53] : memref<16777216xi32, #tpu.memory_space<hbm>> -> memref<16384xi32, #tpu.memory_space<hbm>>
    tpu.wait_dma2 semaphore(%arg4 : memref<!tpu.dma_semaphore, #tpu.memory_space<semaphore_mem>>) src(%arg3 : memref<16384xi32, #tpu.memory_space<vmem>>) dst(%dma_wait3A_179 : memref<16384xi32, #tpu.memory_space<hbm>>)
    %dma_wait3A_180 = tpu.memref_slice %arg2[%add3A_55] : memref<16777216xi32, #tpu.memory_space<hbm>> -> memref<16384xi32, #tpu.memory_space<hbm>>
    %dma_wait3A_181 = tpu.memref_slice %arg2[%add3A_55] : memref<16777216xi32, #tpu.memory_space<hbm>> -> memref<16384xi32, #tpu.memory_space<hbm>>
    tpu.wait_dma2 semaphore(%arg4 : memref<!tpu.dma_semaphore, #tpu.memory_space<semaphore_mem>>) src(%arg3 : memref<16384xi32, #tpu.memory_space<vmem>>) dst(%dma_wait3A_181 : memref<16384xi32, #tpu.memory_space<hbm>>)
    %dma_wait3A_182 = tpu.memref_slice %arg2[%add3A_57] : memref<16777216xi32, #tpu.memory_space<hbm>> -> memref<16384xi32, #tpu.memory_space<hbm>>
    %dma_wait3A_183 = tpu.memref_slice %arg2[%add3A_57] : memref<16777216xi32, #tpu.memory_space<hbm>> -> memref<16384xi32, #tpu.memory_space<hbm>>
    tpu.wait_dma2 semaphore(%arg4 : memref<!tpu.dma_semaphore, #tpu.memory_space<semaphore_mem>>) src(%arg3 : memref<16384xi32, #tpu.memory_space<vmem>>) dst(%dma_wait3A_183 : memref<16384xi32, #tpu.memory_space<hbm>>)
    %dma_wait3A_184 = tpu.memref_slice %arg2[%add3A_59] : memref<16777216xi32, #tpu.memory_space<hbm>> -> memref<16384xi32, #tpu.memory_space<hbm>>
    %dma_wait3A_185 = tpu.memref_slice %arg2[%add3A_59] : memref<16777216xi32, #tpu.memory_space<hbm>> -> memref<16384xi32, #tpu.memory_space<hbm>>
    tpu.wait_dma2 semaphore(%arg4 : memref<!tpu.dma_semaphore, #tpu.memory_space<semaphore_mem>>) src(%arg3 : memref<16384xi32, #tpu.memory_space<vmem>>) dst(%dma_wait3A_185 : memref<16384xi32, #tpu.memory_space<hbm>>)
    %dma_wait3A_186 = tpu.memref_slice %arg2[%add3A_61] : memref<16777216xi32, #tpu.memory_space<hbm>> -> memref<16384xi32, #tpu.memory_space<hbm>>
    %dma_wait3A_187 = tpu.memref_slice %arg2[%add3A_61] : memref<16777216xi32, #tpu.memory_space<hbm>> -> memref<16384xi32, #tpu.memory_space<hbm>>
    tpu.wait_dma2 semaphore(%arg4 : memref<!tpu.dma_semaphore, #tpu.memory_space<semaphore_mem>>) src(%arg3 : memref<16384xi32, #tpu.memory_space<vmem>>) dst(%dma_wait3A_187 : memref<16384xi32, #tpu.memory_space<hbm>>)
    %dma_wait3A_188 = tpu.memref_slice %arg2[%add3A_63] : memref<16777216xi32, #tpu.memory_space<hbm>> -> memref<16384xi32, #tpu.memory_space<hbm>>
    %dma_wait3A_189 = tpu.memref_slice %arg2[%add3A_63] : memref<16777216xi32, #tpu.memory_space<hbm>> -> memref<16384xi32, #tpu.memory_space<hbm>>
    tpu.wait_dma2 semaphore(%arg4 : memref<!tpu.dma_semaphore, #tpu.memory_space<semaphore_mem>>) src(%arg3 : memref<16384xi32, #tpu.memory_space<vmem>>) dst(%dma_wait3A_189 : memref<16384xi32, #tpu.memory_space<hbm>>)
    %dma_wait3A_190 = tpu.memref_slice %arg2[%add3A_65] : memref<16777216xi32, #tpu.memory_space<hbm>> -> memref<16384xi32, #tpu.memory_space<hbm>>
    %dma_wait3A_191 = tpu.memref_slice %arg2[%add3A_65] : memref<16777216xi32, #tpu.memory_space<hbm>> -> memref<16384xi32, #tpu.memory_space<hbm>>
    tpu.wait_dma2 semaphore(%arg4 : memref<!tpu.dma_semaphore, #tpu.memory_space<semaphore_mem>>) src(%arg3 : memref<16384xi32, #tpu.memory_space<vmem>>) dst(%dma_wait3A_191 : memref<16384xi32, #tpu.memory_space<hbm>>)
    %dma_wait3A_192 = tpu.memref_slice %arg2[%add3A_67] : memref<16777216xi32, #tpu.memory_space<hbm>> -> memref<16384xi32, #tpu.memory_space<hbm>>
    %dma_wait3A_193 = tpu.memref_slice %arg2[%add3A_67] : memref<16777216xi32, #tpu.memory_space<hbm>> -> memref<16384xi32, #tpu.memory_space<hbm>>
    tpu.wait_dma2 semaphore(%arg4 : memref<!tpu.dma_semaphore, #tpu.memory_space<semaphore_mem>>) src(%arg3 : memref<16384xi32, #tpu.memory_space<vmem>>) dst(%dma_wait3A_193 : memref<16384xi32, #tpu.memory_space<hbm>>)
    %dma_wait3A_194 = tpu.memref_slice %arg2[%add3A_69] : memref<16777216xi32, #tpu.memory_space<hbm>> -> memref<16384xi32, #tpu.memory_space<hbm>>
    %dma_wait3A_195 = tpu.memref_slice %arg2[%add3A_69] : memref<16777216xi32, #tpu.memory_space<hbm>> -> memref<16384xi32, #tpu.memory_space<hbm>>
    tpu.wait_dma2 semaphore(%arg4 : memref<!tpu.dma_semaphore, #tpu.memory_space<semaphore_mem>>) src(%arg3 : memref<16384xi32, #tpu.memory_space<vmem>>) dst(%dma_wait3A_195 : memref<16384xi32, #tpu.memory_space<hbm>>)
    %dma_wait3A_196 = tpu.memref_slice %arg2[%add3A_71] : memref<16777216xi32, #tpu.memory_space<hbm>> -> memref<16384xi32, #tpu.memory_space<hbm>>
    %dma_wait3A_197 = tpu.memref_slice %arg2[%add3A_71] : memref<16777216xi32, #tpu.memory_space<hbm>> -> memref<16384xi32, #tpu.memory_space<hbm>>
    tpu.wait_dma2 semaphore(%arg4 : memref<!tpu.dma_semaphore, #tpu.memory_space<semaphore_mem>>) src(%arg3 : memref<16384xi32, #tpu.memory_space<vmem>>) dst(%dma_wait3A_197 : memref<16384xi32, #tpu.memory_space<hbm>>)
    %dma_wait3A_198 = tpu.memref_slice %arg2[%add3A_73] : memref<16777216xi32, #tpu.memory_space<hbm>> -> memref<16384xi32, #tpu.memory_space<hbm>>
    %dma_wait3A_199 = tpu.memref_slice %arg2[%add3A_73] : memref<16777216xi32, #tpu.memory_space<hbm>> -> memref<16384xi32, #tpu.memory_space<hbm>>
    tpu.wait_dma2 semaphore(%arg4 : memref<!tpu.dma_semaphore, #tpu.memory_space<semaphore_mem>>) src(%arg3 : memref<16384xi32, #tpu.memory_space<vmem>>) dst(%dma_wait3A_199 : memref<16384xi32, #tpu.memory_space<hbm>>)
    %dma_wait3A_200 = tpu.memref_slice %arg2[%add3A_75] : memref<16777216xi32, #tpu.memory_space<hbm>> -> memref<16384xi32, #tpu.memory_space<hbm>>
    %dma_wait3A_201 = tpu.memref_slice %arg2[%add3A_75] : memref<16777216xi32, #tpu.memory_space<hbm>> -> memref<16384xi32, #tpu.memory_space<hbm>>
    tpu.wait_dma2 semaphore(%arg4 : memref<!tpu.dma_semaphore, #tpu.memory_space<semaphore_mem>>) src(%arg3 : memref<16384xi32, #tpu.memory_space<vmem>>) dst(%dma_wait3A_201 : memref<16384xi32, #tpu.memory_space<hbm>>)
    %dma_wait3A_202 = tpu.memref_slice %arg2[%add3A_77] : memref<16777216xi32, #tpu.memory_space<hbm>> -> memref<16384xi32, #tpu.memory_space<hbm>>
    %dma_wait3A_203 = tpu.memref_slice %arg2[%add3A_77] : memref<16777216xi32, #tpu.memory_space<hbm>> -> memref<16384xi32, #tpu.memory_space<hbm>>
    tpu.wait_dma2 semaphore(%arg4 : memref<!tpu.dma_semaphore, #tpu.memory_space<semaphore_mem>>) src(%arg3 : memref<16384xi32, #tpu.memory_space<vmem>>) dst(%dma_wait3A_203 : memref<16384xi32, #tpu.memory_space<hbm>>)
    %dma_wait3A_204 = tpu.memref_slice %arg2[%add3A_79] : memref<16777216xi32, #tpu.memory_space<hbm>> -> memref<16384xi32, #tpu.memory_space<hbm>>
    %dma_wait3A_205 = tpu.memref_slice %arg2[%add3A_79] : memref<16777216xi32, #tpu.memory_space<hbm>> -> memref<16384xi32, #tpu.memory_space<hbm>>
    tpu.wait_dma2 semaphore(%arg4 : memref<!tpu.dma_semaphore, #tpu.memory_space<semaphore_mem>>) src(%arg3 : memref<16384xi32, #tpu.memory_space<vmem>>) dst(%dma_wait3A_205 : memref<16384xi32, #tpu.memory_space<hbm>>)
    %dma_wait3A_206 = tpu.memref_slice %arg2[%add3A_81] : memref<16777216xi32, #tpu.memory_space<hbm>> -> memref<16384xi32, #tpu.memory_space<hbm>>
    %dma_wait3A_207 = tpu.memref_slice %arg2[%add3A_81] : memref<16777216xi32, #tpu.memory_space<hbm>> -> memref<16384xi32, #tpu.memory_space<hbm>>
    tpu.wait_dma2 semaphore(%arg4 : memref<!tpu.dma_semaphore, #tpu.memory_space<semaphore_mem>>) src(%arg3 : memref<16384xi32, #tpu.memory_space<vmem>>) dst(%dma_wait3A_207 : memref<16384xi32, #tpu.memory_space<hbm>>)
    %dma_wait3A_208 = tpu.memref_slice %arg2[%add3A_83] : memref<16777216xi32, #tpu.memory_space<hbm>> -> memref<16384xi32, #tpu.memory_space<hbm>>
    %dma_wait3A_209 = tpu.memref_slice %arg2[%add3A_83] : memref<16777216xi32, #tpu.memory_space<hbm>> -> memref<16384xi32, #tpu.memory_space<hbm>>
    tpu.wait_dma2 semaphore(%arg4 : memref<!tpu.dma_semaphore, #tpu.memory_space<semaphore_mem>>) src(%arg3 : memref<16384xi32, #tpu.memory_space<vmem>>) dst(%dma_wait3A_209 : memref<16384xi32, #tpu.memory_space<hbm>>)
    %dma_wait3A_210 = tpu.memref_slice %arg2[%add3A_85] : memref<16777216xi32, #tpu.memory_space<hbm>> -> memref<16384xi32, #tpu.memory_space<hbm>>
    %dma_wait3A_211 = tpu.memref_slice %arg2[%add3A_85] : memref<16777216xi32, #tpu.memory_space<hbm>> -> memref<16384xi32, #tpu.memory_space<hbm>>
    tpu.wait_dma2 semaphore(%arg4 : memref<!tpu.dma_semaphore, #tpu.memory_space<semaphore_mem>>) src(%arg3 : memref<16384xi32, #tpu.memory_space<vmem>>) dst(%dma_wait3A_211 : memref<16384xi32, #tpu.memory_space<hbm>>)
    %dma_wait3A_212 = tpu.memref_slice %arg2[%add3A_87] : memref<16777216xi32, #tpu.memory_space<hbm>> -> memref<16384xi32, #tpu.memory_space<hbm>>
    %dma_wait3A_213 = tpu.memref_slice %arg2[%add3A_87] : memref<16777216xi32, #tpu.memory_space<hbm>> -> memref<16384xi32, #tpu.memory_space<hbm>>
    tpu.wait_dma2 semaphore(%arg4 : memref<!tpu.dma_semaphore, #tpu.memory_space<semaphore_mem>>) src(%arg3 : memref<16384xi32, #tpu.memory_space<vmem>>) dst(%dma_wait3A_213 : memref<16384xi32, #tpu.memory_space<hbm>>)
    %dma_wait3A_214 = tpu.memref_slice %arg2[%add3A_89] : memref<16777216xi32, #tpu.memory_space<hbm>> -> memref<16384xi32, #tpu.memory_space<hbm>>
    %dma_wait3A_215 = tpu.memref_slice %arg2[%add3A_89] : memref<16777216xi32, #tpu.memory_space<hbm>> -> memref<16384xi32, #tpu.memory_space<hbm>>
    tpu.wait_dma2 semaphore(%arg4 : memref<!tpu.dma_semaphore, #tpu.memory_space<semaphore_mem>>) src(%arg3 : memref<16384xi32, #tpu.memory_space<vmem>>) dst(%dma_wait3A_215 : memref<16384xi32, #tpu.memory_space<hbm>>)
    %dma_wait3A_216 = tpu.memref_slice %arg2[%add3A_91] : memref<16777216xi32, #tpu.memory_space<hbm>> -> memref<16384xi32, #tpu.memory_space<hbm>>
    %dma_wait3A_217 = tpu.memref_slice %arg2[%add3A_91] : memref<16777216xi32, #tpu.memory_space<hbm>> -> memref<16384xi32, #tpu.memory_space<hbm>>
    tpu.wait_dma2 semaphore(%arg4 : memref<!tpu.dma_semaphore, #tpu.memory_space<semaphore_mem>>) src(%arg3 : memref<16384xi32, #tpu.memory_space<vmem>>) dst(%dma_wait3A_217 : memref<16384xi32, #tpu.memory_space<hbm>>)
    return
  }
}

</mosaic_0001>

<sc_bundles>
// kernel: kernel.3.cloned.1.call-start
scs
__scs_entry_jumppad:
0x0: {  	(pc) =	sbr.rel $0x88, $3  }
0x1: {  	(tag) =	ssettag $0x0;
	lr =	simm.s32 $0x1  }
0x2: {  	[smem:$0x3FA0] =	sst lr;
	_ =	strace $0xD0000000  }
0x3: {  	_ = 	snop  }
0x4: {  	_ = 	snop  }
0x5: {  	_ = 	snop  }
0x6: {  	_ = 	snop  }
0x7: {  	_ = 	snop  }
__scs_overlays_trampoline_lowered:
0x8: {  	[smem:$0x3FAF] =	sst s0  }
0x9: {  	[smem:$0x3FB0] =	sst s1  }
0xa: {  	[smem:$0x3FB1] =	sst s2  }
0xb: {  	[smem:$0x3FB2] =	sst s3  }
0xc: {  	[smem:$0x3FB3] =	sst s4  }
0xd: {  	[smem:$0x3FB4] =	sst s5  }
0xe: {  	[smem:$0x3FB5] =	sst s6  }
0xf: {  	[smem:$0x3FB6] =	sst s7  }
0x10: {  	[smem:$0x3FB7] =	sst s8  }
0x11: {  	[smem:$0x3FB8] =	sst s9;
	s0 =	simm.s32 @!p0 $0x0  }
0x12: {  	s1 =	sld [smem:$0x3F9E];
	s0 =	simm.s32 @p0 $0x1  }
0x13: {  	[smem:$0x3FB9] =	sst s0;
	s0 =	simm.s32 @!p1 $0x0  }
0x14: {  	s2 =	sld [smem:$0x3F9D];
	s0 =	simm.s32 @p1 $0x1  }
0x15: {  	[smem:$0x3FBA] =	sst s0;
	s0 =	simm.s32 @!p2 $0x0  }
0x16: {  	s3 =	sld [smem:$0x3FDB];
	s0 =	simm.s32 @p2 $0x1  }
0x17: {  	s4 =	simm.s32 $0x1BF5;
	[smem:$0x3FBC] =	sst s0  }
0x18: {  	s0 =	sld [smem:$0x3F9F];
	_ =	swait.ge [sflag:s4], $0x0  }
0x19: {  	s7 =	sld [smem:$0x3FA0]  }
0x1a: {  	s8 =	sadd.s32 $0xFFFFE003, lr  }
0x1b: {  	s9 =	sadd.s32 $0xFFFFFEF7, lr;
	s5 =	simm.s32 $0xFFFFFFFF;
	p2 =	slt.u32 s8, $0xFFFFF086  }
0x1c: {  	p1 =	slt.u32 s9, $0xF7A;
	s5 =	simm.s32 @!p2 $0x0  }
0x1d: {  	s5 =	simm.s32 @p1 $0x1;
	p0 =	seq.s32 s7, s2  }
0x1e: {  	s7 =	smul.u32 @!p0 $0xF7A, s2;
	p2 =	seq.s32 @!p0 s5, $0x0  }
0x1f: {  	s9 =	smul.u32 $0xF7A, s1;
	s8 =	simm.s32 @!p0 $0x1BF5;
	p2 =	por !p2, p0  }
0x20: {  	[sflag:s8] =	ssyncset.s32 @!p0 $0xFFFFF086;
	s6 =	sadd.s32 @!p0 s3, s7;
	s7 =	simm.s32 @!p0 $0x108  }
0x21: {  	s3 =	sadd.s32 s3, s9;
	s6 =	sadd.s32 @!p0 $0x88, s6;
	s7 =	simm.s32 @p2 $0x1082  }
0x22: {  	[simem:s7], [sflag:s8] =	dma.local @!p0 [hbm:s6], $0xF7A  }
0x23: {  	s9 =	sor.u32 $0xD0000000, s2;
	s6 =	simm.s32 $0x108;
	_ =	swait.ge @!p0 [sflag:s8], $0x0  }
0x24: {  	s3 =	sadd.s32 $0x88, s3;
	s6 =	simm.s32 @!p1 $0x1082;
	[sflag:s4] =	ssyncset.s32 $0xFFFFF086  }
0x25: {  	[simem:s6], [sflag:s4] =	dma.local [hbm:s3], $0xF7A  }
0x26: {  	[smem:$0x3FA0] =	sst s1;
	(tag) =	ssettag s2;
	_ =	strace s9  }
0x27: {  	s1 =	sld [smem:$0x3FB0]  }
0x28: {  	s2 =	sld [smem:$0x3FB1]  }
0x29: {  	s4 =	sld [smem:$0x3FB3]  }
0x2a: {  	p0 =	seq.s32 s5, $0x0;
	s5 =	sld [smem:$0x3FB4]  }
0x2b: {  	s6 =	sld [smem:$0x3FB5]  }
0x2c: {  	s7 =	sld [smem:$0x3FB6]  }
0x2d: {  	s3 =	simm.s32 $0x108;
	s8 =	sld [smem:$0x3FB7]  }
0x2e: {  	s3 =	simm.s32 @!p0 $0x1082;
	s9 =	sld [smem:$0x3FB8]  }
0x2f: {  	lr =	sadd.s32 s0, s3;
	s0 =	sld [smem:$0x3FAF]  }
0x30: {  	s3 =	sld [smem:$0x3FB2]  }
0x31: {  	[smem:$0x3FBB] =	sst s10  }
0x32: {  	s10 =	sld [smem:$0x3FB9];
	_ =	sdelay $0x3  }
0x33: {  	p0 =	seq.s32 s10, $0x1;
	s10 =	sld [smem:$0x3FBB];
	_ =	sdelay $0x3  }
0x34: {  	[smem:$0x3FBB] =	sst s10  }
0x35: {  	s10 =	sld [smem:$0x3FBA];
	_ =	sdelay $0x3  }
0x36: {  	p1 =	seq.s32 s10, $0x1;
	s10 =	sld [smem:$0x3FBB];
	_ =	sdelay $0x3  }
0x37: {  	[smem:$0x3FBB] =	sst s10  }
0x38: {  	s10 =	sld [smem:$0x3FBC]  }
0x39: {  	_ = 	snop;
	(pc) =	sbr.ind lr, $3  }
0x3a: {  	_ = 	snop  }
0x3b: {  	_ = 	snop  }
0x3c: {  	p2 =	seq.s32 s10, $0x1;
	s10 =	sld [smem:$0x3FBB]  }
0x3d: {  	_ =	shalt  }
0x3e: {  	_ =	shalt  }
0x3f: {  	_ =	shalt  }
0x40: {  	_ =	shalt  }
0x41: {  	_ =	shalt  }
0x42: {  	_ =	shalt  }
0x43: {  	_ =	shalt  }
0x44: {  	_ =	shalt  }
0x45: {  	_ =	shalt  }
0x46: {  	_ =	shalt  }
0x47: {  	_ =	shalt  }
0x48: {  	_ =	shalt  }
0x49: {  	_ =	shalt  }
0x4a: {  	_ =	shalt  }
0x4b: {  	_ =	shalt  }
0x4c: {  	_ =	shalt  }
0x4d: {  	_ =	shalt  }
0x4e: {  	_ =	shalt  }
0x4f: {  	_ =	shalt  }
0x50: {  	_ =	shalt  }
0x51: {  	_ =	shalt  }
0x52: {  	_ =	shalt  }
0x53: {  	_ =	shalt  }
0x54: {  	_ =	shalt  }
0x55: {  	_ =	shalt  }
0x56: {  	_ =	shalt  }
0x57: {  	_ =	shalt  }
0x58: {  	_ =	shalt  }
0x59: {  	_ =	shalt  }
0x5a: {  	_ =	shalt  }
0x5b: {  	_ =	shalt  }
0x5c: {  	_ =	shalt  }
0x5d: {  	_ =	shalt  }
0x5e: {  	_ =	shalt  }
0x5f: {  	_ =	shalt  }
0x60: {  	_ =	shalt  }
0x61: {  	_ =	shalt  }
0x62: {  	_ =	shalt  }
0x63: {  	_ =	shalt  }
0x64: {  	_ =	shalt  }
0x65: {  	_ =	shalt  }
0x66: {  	_ =	shalt  }
0x67: {  	_ =	shalt  }
0x68: {  	_ =	shalt  }
0x69: {  	_ =	shalt  }
0x6a: {  	_ =	shalt  }
0x6b: {  	_ =	shalt  }
0x6c: {  	_ =	shalt  }
0x6d: {  	_ =	shalt  }
0x6e: {  	_ =	shalt  }
0x6f: {  	_ =	shalt  }
0x70: {  	_ =	shalt  }
0x71: {  	_ =	shalt  }
0x72: {  	_ =	shalt  }
0x73: {  	_ =	shalt  }
0x74: {  	_ =	shalt  }
0x75: {  	_ =	shalt  }
0x76: {  	_ =	shalt  }
0x77: {  	_ =	shalt  }
0x78: {  	_ =	shalt  }
0x79: {  	_ =	shalt  }
0x7a: {  	_ =	shalt  }
0x7b: {  	_ =	shalt  }
0x7c: {  	_ =	shalt  }
0x7d: {  	_ =	shalt  }
0x7e: {  	_ =	shalt  }
0x7f: {  	_ =	shalt  }
0x80: {  	_ =	shalt  }
0x81: {  	_ =	shalt  }
0x82: {  	_ =	shalt  }
0x83: {  	_ =	shalt  }
0x84: {  	_ =	shalt  }
0x85: {  	_ =	shalt  }
0x86: {  	_ =	shalt  }
0x87: {  	_ =	shalt  }
.Lfunc_end0:
.L_simem_size_0:
called_computation_lowered:
.L_overlay_start_0:
0x88: {  	s2 =	sld [smem:$0x3FD9]  }
0x89: {  	s3 =	sld [smem:$0x3FFE];
	_ =	sdelay $0x1  }
0x8a: {  	s1 =	srdreg.scid  }
0x8b: {  	s0 =	sand.u32 $0x1, s1  }
0x8c: {  	s15 =	sshll.u32 s0, $0xA;
	s2 =	sadd.s32 s3, s2  }
0x8d: {  	s2 =	sadd.s32 s2, s15  }
0x8e: {  	[smem:$0x3FC7] =	sst s2  }
0x8f: {  	_ = 	snop  }
0x90: {  	s2 =	sld [smem:$0x3FD0];
	_ =	sdelay $0x2  }
0x91: {  	s16 =	simm.s32 $0xA;
	s4 =	simm.s32 $0x10  }
0x92: {  	[smem:s4], [sflag:s16] =	dma.local [hbm:s2], $0x1  }
0x93: {  	_ =	swait.eq [sflag:s16], $0x1  }
0x94: {  	[sflag:s16] =	ssyncset.done $0x0  }
0x95: {  	[sflag:s16] =	ssyncadd.s32 $0xFFFFFFFF  }
0x96: {  	s17 =	sld [smem:$0x10];
	(tm) =	ssettm $0x1  }
0x97: {  	s18 =	sld [smem:$0x3FFB];
	_ =	sdelay $0x3  }
0x98: {  	_ =	strace s18  }
0x99: {  	s3 =	sld [smem:$0x3FFC];
	_ =	sdelay $0x3  }
0x9a: {  	_ =	strace s3  }
0x9b: {  	s3 =	sld [smem:$0x3FFD];
	_ =	sdelay $0x3  }
0x9c: {  	_ =	strace s3  }
0x9d: {  	_ =	strace $0x8FFFFFFF  }
0x9e: {  	s19 =	sld [smem:$0x3FDB];
	_ =	sdelay $0x1  }
0x9f: {  	s20 =	simm.s32 $_scs_section_size  }
0xa0: {  	s5 =	simm.s32 $_size__tile_overlayer_lowered;
	s6 =	simm.s32 $_tile_overlayer_lowered  }
0xa1: {  	s23 =	simm.s32 $0x1BFF;
	s22 =	sshll.u32 s6, $0x1;
	s3 =	sadd.s32 s20, s19  }
0xa2: {  	s7 =	simm.s32 $0x0;
	s21 =	sshll.u32 s5, $0x1;
	s5 =	sadd.s32 s22, s3  }
0xa3: {  	[timem:s7], [sflag:s23] =	dma.local [hbm:s5], s21  }
0xa4: {  	_ =	swait.ge [sflag:s23], s21  }
0xa5: {  	s4 =	ssub.s32 $0x0, s21;
	[sflag:s23] =	ssyncset.done $0x0  }
0xa6: {  	[sflag:s23] =	ssyncadd.s32 s4;
	_ =	sdelay $0x1  }
0xa7: {  	s24 =	simm.s32 $0x1B8B  }
0xa8: {  	_ =	swait.ge [sflag:s24], $0x1  }
0xa9: {  	[sflag:s24] =	ssyncset.done $0x0  }
0xaa: {  	s25 =	simm.s32 $0x1B8E;
	[sflag:s24] =	ssyncadd.s32 $0xFFFFFFFF  }
0xab: {  	s26 =	simm.s32 $execute0_lowered;
	[smem:$0x3FD2] =	sst s25  }
0xac: {  	s4 =	sshll.u32 s26, $0x1;
	_ =	strace $0x80000046;
	[dreg:$0x1] =	wrdreg $0xFFFFFFFF  }
0xad: {  	s28 =	simm.s32 $_size_execute0_lowered;
	s3 =	sadd.s32 s3, s4;
	[dreg:$0x0] =	wrdreg $0x0  }
0xae: {  	s4 =	sshll.u32 s28, $0x1;
	[dreg:$0x2] =	wrdreg s3  }
0xaf: {  	[dreg:$0x3] =	wrdreg s4  }
0xb0: {  	[dreg:$0x4] =	wrdreg $0xC0  }
0xb1: {  	_ =	task [dreg:s7], $0x5FFFF  }
0xb2: {  	[dreg:$0x1] =	wrdreg $0xFFFFFFFF  }
0xb3: {  	[dreg:$0x0] =	wrdreg $0x60  }
0xb4: {  	[dreg:$0x2] =	wrdreg s17  }
0xb5: {  	[dreg:$0x3] =	wrdreg $0x9  }
0xb6: {  	_ =	task.clear_ibuf [dreg:s7], $0x4FFFF;
	_ =	strace $0x90000046  }
0xb7: {  	s29 =	simm.s32 $0x9;
	_ =	strace $0x80000048  }
0xb8: {  	_ =	swait.ge [sflag:s29], $0x1  }
0xb9: {  	[sflag:s29] =	ssyncadd.s32 $0xFFFFFFFF  }
0xba: {  	_ =	strace $0x90000048  }
0xbb: {  	_ =	sfence  }
0xbc: {  	s30 =	sld [smem:$0x0];
	_ =	sdelay $0x2  }
0xbd: {  	s31 =	sshll.u32 s1, $0xD;
	s1 =	sshrl.u32 s1, $0x2  }
0xbe: {  	s3 =	sand.u32 $0x4000, s31;
	s1 =	sadd.s32 s1, s30  }
0xbf: {  	s0 =	sor.u32 s3, s0;
	s1 =	sshll.u32 s1, $0x11  }
0xc0: {  	s0 =	sor.u32 s1, s0  }
0xc1: {  	s0 =	sadd.s32 $0x8F2B, s0  }
0xc2: {  	[sflag:s0] =	ssyncadd.remote.s32 $0x1  }
0xc3: {  	_ =	sfence.sel $0xFFFF  }
0xc4: {  	[dreg:$0x0] =	wrdreg $0xFFFFFFFF;
	(pc) =	sbr.abs _section_cstart, $3  }
0xc5: {  	[dreg:$0x1] =	wrdreg $0xFFFFFFFF  }
0xc6: {  	_ =	task.clear_ibuf [dreg:s7], $0x2FFFF;
	_ =	strace $0x9FFFFFFF  }
0xc7: {  	(tm) =	ssettm $0x7FFFFFFF  }
tec
execute0_lowered:
.L_overlay_start_1:
0x0: {  	(tag) =	ssettag $0x1  }
0x1: {  	s0 =	rddreg [dreg:$0x0];
	s1 =	srdreg.scid  }
0x2: {  	s5 =	stileid.u32;
	s2 =	simm.s32 $0x0;
	s9 =	simm.s32 $0x1  }
0x3: {  	s10 =	simm.s32 $0x0;
	s1 =	sand.u32 $0x1, s1;
	s3 =	sshll.u32 s5, $0x11  }
0x4: {  	[smem:$0x7FF] =	sst s2;
	s4 =	sshll.u32 s1, $0x10;
	s1 =	ssub.s32 $0x2, s1  }
0x5: {  	_ =	strace $0x80000047;
	s3 =	sor.u32 s4, s3;
	s13 =	sshrl.u32 s1, $0x1  }
0x6: {  	s4 =	sshrl.u32 s5, $0x2;
	s3 =	sadd.s32 s0, s3;
	s14 =	ssub.s32 s1, s13  }
0x7: {  	s17 =	sadd.s32 $0x800, s3;
	s18 =	sadd.s32 $0x1000, s3;
	s19 =	sadd.s32 $0x1800, s3  }
0x8: {  	s20 =	sadd.s32 $0x2000, s3;
	s21 =	sadd.s32 $0x2800, s3;
	[dreg:$0x2] =	wrdreg s17  }
0x9: {  	s22 =	sadd.s32 $0x3000, s3;
	s23 =	sadd.s32 $0x3800, s3;
	[dreg:$0x3] =	wrdreg s18  }
0xa: {  	s24 =	sadd.s32 $0x4000, s3;
	s25 =	sadd.s32 $0x4800, s3;
	[dreg:$0x4] =	wrdreg s19  }
0xb: {  	s26 =	sadd.s32 $0x5000, s3;
	s15 =	sadd.s32 $0x5800, s3;
	[dreg:$0x5] =	wrdreg s20  }
0xc: {  	s16 =	sadd.s32 $0x6000, s3;
	s28 =	sadd.s32 $0xB000, s3;
	[dreg:$0x6] =	wrdreg s21  }
0xd: {  	s29 =	sadd.s32 $0xB800, s3;
	s30 =	sadd.s32 $0xC000, s3;
	[dreg:$0x7] =	wrdreg s22  }
0xe: {  	s31 =	sadd.s32 $0xC800, s3;
	s0 =	sadd.s32 $0xD000, s3;
	[dreg:$0x8] =	wrdreg s23  }
0xf: {  	s1 =	sadd.s32 $0xD800, s3;
	s5 =	sadd.s32 $0xE000, s3;
	[dreg:$0x9] =	wrdreg s24  }
0x10: {  	s6 =	sadd.s32 $0xE800, s3;
	s7 =	sadd.s32 $0xF000, s3;
	[dreg:$0xa] =	wrdreg s25  }
0x11: {  	s8 =	sadd.s32 $0xF800, s3;
	[dreg:$0xb] =	wrdreg s26;
	s17 =	sadd.s32 $0x6800, s3  }
0x12: {  	s18 =	sadd.s32 $0x7000, s3;
	s19 =	sadd.s32 $0x7800, s3;
	s20 =	sadd.s32 $0x8000, s3  }
0x13: {  	s21 =	sadd.s32 $0x8800, s3;
	s22 =	sadd.s32 $0x9000, s3;
	s23 =	sadd.s32 $0x9800, s3  }
0x14: {  	v0 =	vimm.s32 $0x1;
	s24 =	sadd.s32 $0xA000, s3;
	s25 =	smax.u32 s14, $0x1;
	s26 =	sadd.s32 $0xA800, s3  }
.LBB2_1:
0x15: {  	s11 =	sand.u32 $0x3, s2  }
0x16: {  	p0 =	seq.s32 s11, s4  }
0x17: {  	s11 =	simm.s32 $0x40;
	v1 =	vpsel !p0, $0x0, v0  }
0x18: {  	[tilespmem:s11+$0x30] =	vst v1  }
0x19: {  	[tilespmem:s11+$0xFFFFFFC0] =	vst v1  }
0x1a: {  	[tilespmem:s11+$0xFFFFFFD0] =	vst v1  }
0x1b: {  	[tilespmem:s11+$0xFFFFFFE0] =	vst v1  }
0x1c: {  	s12 =	simm.s32 $0x0;
	s13 =	simm.s32 $0x1;
	[tilespmem:s11+$0xFFFFFFF0] =	vst v1  }
.LBB2_2:
0x1d: {  	s14 =	sand.u32 $0x3, s13;
	s12 =	sadd.s32 $0x8, s12;
	[tilespmem:s11+$0x0] =	vst v1  }
0x1e: {  	p1 =	seq.s32 s14, s4;
	p0 =	slt.u32 s12, $0x3F8;
	[tilespmem:s11+$0x10] =	vst v1  }
0x1f: {  	[tilespmem:s11+$0x20] =	vst v1;
	v1 =	vpsel !p1, $0x0, v0;
	s11 =	sadd.s32 $0x80, s11  }
.Ltmp0:
0x20: {  	[tilespmem:s11+$0x30] =	vst v1;
	(pc) =	sbr.rel @p0 .LBB2_2-.Ltmp0, $4  }
0x21: {  	[tilespmem:s11+$0xFFFFFFC0] =	vst v1  }
0x22: {  	[tilespmem:s11+$0xFFFFFFD0] =	vst v1  }
0x23: {  	[tilespmem:s11+$0xFFFFFFE0] =	vst v1  }
0x24: {  	s13 =	sadd.s32 $0x1, s13;
	[tilespmem:s11+$0xFFFFFFF0] =	vst v1  }
0x25: {  	[tilespmem:s11+$0x0] =	vst v1  }
0x26: {  	[tilespmem:s11+$0x10] =	vst v1  }
0x27: {  	[tilespmem:s11+$0x20] =	vst v1  }
0x28: {  	[hbm4b:s3+s2] =	stream.linear.scatter [tilespmem:s2], [sflag:$0x1], $0x4000, $0x38;
	[tilespmem:$0x4000] =	vst v63  }
0x29: {  	s14 =	rddreg [dreg:$0x2]  }
0x2a: {  	[hbm4b:s14+s2] =	stream.linear.scatter [tilespmem:s2], [sflag:$0x1], $0x4000, $0x38;
	[tilespmem:$0x4000] =	vst v63  }
0x2b: {  	s12 =	rddreg [dreg:$0x3]  }
0x2c: {  	[hbm4b:s12+s2] =	stream.linear.scatter [tilespmem:s2], [sflag:$0x1], $0x4000, $0x38;
	[tilespmem:$0x4000] =	vst v63  }
0x2d: {  	s13 =	rddreg [dreg:$0x4]  }
0x2e: {  	[hbm4b:s13+s2] =	stream.linear.scatter [tilespmem:s2], [sflag:$0x1], $0x4000, $0x38;
	[tilespmem:$0x4000] =	vst v63  }
0x2f: {  	s14 =	rddreg [dreg:$0x5]  }
0x30: {  	[hbm4b:s14+s2] =	stream.linear.scatter [tilespmem:s2], [sflag:$0x1], $0x4000, $0x38;
	[tilespmem:$0x4000] =	vst v63  }
0x31: {  	s12 =	rddreg [dreg:$0x6]  }
0x32: {  	[hbm4b:s12+s2] =	stream.linear.scatter [tilespmem:s2], [sflag:$0x1], $0x4000, $0x38;
	[tilespmem:$0x4000] =	vst v63  }
0x33: {  	s13 =	rddreg [dreg:$0x7]  }
0x34: {  	[hbm4b:s13+s2] =	stream.linear.scatter [tilespmem:s2], [sflag:$0x1], $0x4000, $0x38;
	[tilespmem:$0x4000] =	vst v63  }
0x35: {  	s14 =	rddreg [dreg:$0x8]  }
0x36: {  	[hbm4b:s14+s2] =	stream.linear.scatter [tilespmem:s2], [sflag:$0x1], $0x4000, $0x38;
	[tilespmem:$0x4000] =	vst v63  }
0x37: {  	s12 =	rddreg [dreg:$0x9]  }
0x38: {  	[hbm4b:s12+s2] =	stream.linear.scatter [tilespmem:s2], [sflag:$0x1], $0x4000, $0x38;
	[tilespmem:$0x4000] =	vst v63  }
0x39: {  	s13 =	rddreg [dreg:$0xa]  }
0x3a: {  	[hbm4b:s13+s2] =	stream.linear.scatter [tilespmem:s2], [sflag:$0x1], $0x4000, $0x38;
	[tilespmem:$0x4000] =	vst v63  }
0x3b: {  	s14 =	rddreg [dreg:$0xb]  }
0x3c: {  	[hbm4b:s14+s2] =	stream.linear.scatter [tilespmem:s2], [sflag:$0x1], $0x4000, $0x38;
	[tilespmem:$0x4000] =	vst v63  }
0x3d: {  	_ = 	snop  }
0x3e: {  	[hbm4b:s15+s2] =	stream.linear.scatter [tilespmem:s2], [sflag:$0x1], $0x4000, $0x38;
	[tilespmem:$0x4000] =	vst v63  }
0x3f: {  	_ = 	snop  }
0x40: {  	[hbm4b:s16+s2] =	stream.linear.scatter [tilespmem:s2], [sflag:$0x1], $0x4000, $0x38;
	[tilespmem:$0x4000] =	vst v63  }
0x41: {  	_ = 	snop  }
0x42: {  	[hbm4b:s17+s2] =	stream.linear.scatter [tilespmem:s2], [sflag:$0x1], $0x4000, $0x38;
	[tilespmem:$0x4000] =	vst v63  }
0x43: {  	_ = 	snop  }
0x44: {  	[hbm4b:s18+s2] =	stream.linear.scatter [tilespmem:s2], [sflag:$0x1], $0x4000, $0x38;
	[tilespmem:$0x4000] =	vst v63  }
0x45: {  	_ = 	snop  }
0x46: {  	[hbm4b:s19+s2] =	stream.linear.scatter [tilespmem:s2], [sflag:$0x1], $0x4000, $0x38;
	[tilespmem:$0x4000] =	vst v63  }
0x47: {  	_ = 	snop  }
0x48: {  	[hbm4b:s20+s2] =	stream.linear.scatter [tilespmem:s2], [sflag:$0x1], $0x4000, $0x38;
	[tilespmem:$0x4000] =	vst v63  }
0x49: {  	_ = 	snop  }
0x4a: {  	[hbm4b:s21+s2] =	stream.linear.scatter [tilespmem:s2], [sflag:$0x1], $0x4000, $0x38;
	[tilespmem:$0x4000] =	vst v63  }
0x4b: {  	_ = 	snop  }
0x4c: {  	[hbm4b:s22+s2] =	stream.linear.scatter [tilespmem:s2], [sflag:$0x1], $0x4000, $0x38;
	[tilespmem:$0x4000] =	vst v63  }
0x4d: {  	_ = 	snop  }
0x4e: {  	[hbm4b:s23+s2] =	stream.linear.scatter [tilespmem:s2], [sflag:$0x1], $0x4000, $0x38;
	[tilespmem:$0x4000] =	vst v63  }
0x4f: {  	_ = 	snop  }
0x50: {  	[hbm4b:s24+s2] =	stream.linear.scatter [tilespmem:s2], [sflag:$0x1], $0x4000, $0x38;
	[tilespmem:$0x4000] =	vst v63  }
0x51: {  	_ = 	snop  }
0x52: {  	[hbm4b:s26+s2] =	stream.linear.scatter [tilespmem:s2], [sflag:$0x1], $0x4000, $0x38;
	[tilespmem:$0x4000] =	vst v63  }
0x53: {  	_ = 	snop  }
0x54: {  	[hbm4b:s28+s2] =	stream.linear.scatter [tilespmem:s2], [sflag:$0x1], $0x4000, $0x38;
	[tilespmem:$0x4000] =	vst v63  }
0x55: {  	_ = 	snop  }
0x56: {  	[hbm4b:s29+s2] =	stream.linear.scatter [tilespmem:s2], [sflag:$0x1], $0x4000, $0x38;
	[tilespmem:$0x4000] =	vst v63  }
0x57: {  	_ = 	snop  }
0x58: {  	[hbm4b:s30+s2] =	stream.linear.scatter [tilespmem:s2], [sflag:$0x1], $0x4000, $0x38;
	[tilespmem:$0x4000] =	vst v63  }
0x59: {  	_ = 	snop  }
0x5a: {  	[hbm4b:s31+s2] =	stream.linear.scatter [tilespmem:s2], [sflag:$0x1], $0x4000, $0x38;
	[tilespmem:$0x4000] =	vst v63  }
0x5b: {  	_ = 	snop  }
0x5c: {  	[hbm4b:s0+s2] =	stream.linear.scatter [tilespmem:s2], [sflag:$0x1], $0x4000, $0x38;
	[tilespmem:$0x4000] =	vst v63  }
0x5d: {  	_ = 	snop  }
0x5e: {  	[hbm4b:s1+s2] =	stream.linear.scatter [tilespmem:s2], [sflag:$0x1], $0x4000, $0x38;
	[tilespmem:$0x4000] =	vst v63  }
0x5f: {  	_ = 	snop  }
0x60: {  	[hbm4b:s5+s2] =	stream.linear.scatter [tilespmem:s2], [sflag:$0x1], $0x4000, $0x38;
	[tilespmem:$0x4000] =	vst v63  }
0x61: {  	_ = 	snop  }
0x62: {  	[hbm4b:s6+s2] =	stream.linear.scatter [tilespmem:s2], [sflag:$0x1], $0x4000, $0x38;
	[tilespmem:$0x4000] =	vst v63  }
0x63: {  	_ = 	snop  }
0x64: {  	[hbm4b:s7+s2] =	stream.linear.scatter [tilespmem:s2], [sflag:$0x1], $0x4000, $0x38;
	[tilespmem:$0x4000] =	vst v63  }
0x65: {  	_ = 	snop  }
0x66: {  	[hbm4b:s8+s2] =	stream.linear.scatter [tilespmem:s2], [sflag:$0x1], $0x4000, $0x38;
	[tilespmem:$0x4000] =	vst v63  }
0x67: {  	_ =	swait.ge [sflag:s9], $0x4000  }
0x68: {  	[sflag:s9] =	ssyncset.done $0x0  }
0x69: {  	[sflag:s9] =	ssyncadd.s32 $0xFFFFC000  }
0x6a: {  	_ =	swait.ge [sflag:s9], $0x4000  }
0x6b: {  	[sflag:s9] =	ssyncset.done $0x0  }
0x6c: {  	[sflag:s9] =	ssyncadd.s32 $0xFFFFC000  }
0x6d: {  	_ =	swait.ge [sflag:s9], $0x4000  }
0x6e: {  	[sflag:s9] =	ssyncset.done $0x0  }
0x6f: {  	[sflag:s9] =	ssyncadd.s32 $0xFFFFC000  }
0x70: {  	_ =	swait.ge [sflag:s9], $0x4000  }
0x71: {  	[sflag:s9] =	ssyncset.done $0x0  }
0x72: {  	[sflag:s9] =	ssyncadd.s32 $0xFFFFC000  }
0x73: {  	_ =	swait.ge [sflag:s9], $0x4000  }
0x74: {  	[sflag:s9] =	ssyncset.done $0x0  }
0x75: {  	[sflag:s9] =	ssyncadd.s32 $0xFFFFC000  }
0x76: {  	_ =	swait.ge [sflag:s9], $0x4000  }
0x77: {  	[sflag:s9] =	ssyncset.done $0x0  }
0x78: {  	[sflag:s9] =	ssyncadd.s32 $0xFFFFC000  }
0x79: {  	_ =	swait.ge [sflag:s9], $0x4000  }
0x7a: {  	[sflag:s9] =	ssyncset.done $0x0  }
0x7b: {  	[sflag:s9] =	ssyncadd.s32 $0xFFFFC000  }
0x7c: {  	_ =	swait.ge [sflag:s9], $0x4000  }
0x7d: {  	[sflag:s9] =	ssyncset.done $0x0  }
0x7e: {  	[sflag:s9] =	ssyncadd.s32 $0xFFFFC000  }
0x7f: {  	_ =	swait.ge [sflag:s9], $0x4000  }
0x80: {  	[sflag:s9] =	ssyncset.done $0x0  }
0x81: {  	[sflag:s9] =	ssyncadd.s32 $0xFFFFC000  }
0x82: {  	_ =	swait.ge [sflag:s9], $0x4000  }
0x83: {  	[sflag:s9] =	ssyncset.done $0x0  }
0x84: {  	[sflag:s9] =	ssyncadd.s32 $0xFFFFC000  }
0x85: {  	_ =	swait.ge [sflag:s9], $0x4000  }
0x86: {  	[sflag:s9] =	ssyncset.done $0x0  }
0x87: {  	[sflag:s9] =	ssyncadd.s32 $0xFFFFC000  }
0x88: {  	_ =	swait.ge [sflag:s9], $0x4000  }
0x89: {  	[sflag:s9] =	ssyncset.done $0x0  }
0x8a: {  	[sflag:s9] =	ssyncadd.s32 $0xFFFFC000  }
0x8b: {  	_ =	swait.ge [sflag:s9], $0x4000  }
0x8c: {  	[sflag:s9] =	ssyncset.done $0x0  }
0x8d: {  	[sflag:s9] =	ssyncadd.s32 $0xFFFFC000  }
0x8e: {  	_ =	swait.ge [sflag:s9], $0x4000  }
0x8f: {  	[sflag:s9] =	ssyncset.done $0x0  }
0x90: {  	[sflag:s9] =	ssyncadd.s32 $0xFFFFC000  }
0x91: {  	_ =	swait.ge [sflag:s9], $0x4000  }
0x92: {  	[sflag:s9] =	ssyncset.done $0x0  }
0x93: {  	[sflag:s9] =	ssyncadd.s32 $0xFFFFC000  }
0x94: {  	_ =	swait.ge [sflag:s9], $0x4000  }
0x95: {  	[sflag:s9] =	ssyncset.done $0x0  }
0x96: {  	[sflag:s9] =	ssyncadd.s32 $0xFFFFC000  }
0x97: {  	_ =	swait.ge [sflag:s9], $0x4000  }
0x98: {  	[sflag:s9] =	ssyncset.done $0x0  }
0x99: {  	[sflag:s9] =	ssyncadd.s32 $0xFFFFC000  }
0x9a: {  	_ =	swait.ge [sflag:s9], $0x4000  }
0x9b: {  	[sflag:s9] =	ssyncset.done $0x0  }
0x9c: {  	[sflag:s9] =	ssyncadd.s32 $0xFFFFC000  }
0x9d: {  	_ =	swait.ge [sflag:s9], $0x4000  }
0x9e: {  	[sflag:s9] =	ssyncset.done $0x0  }
0x9f: {  	[sflag:s9] =	ssyncadd.s32 $0xFFFFC000  }
0xa0: {  	_ =	swait.ge [sflag:s9], $0x4000  }
0xa1: {  	[sflag:s9] =	ssyncset.done $0x0  }
0xa2: {  	[sflag:s9] =	ssyncadd.s32 $0xFFFFC000  }
0xa3: {  	_ =	swait.ge [sflag:s9], $0x4000  }
0xa4: {  	[sflag:s9] =	ssyncset.done $0x0  }
0xa5: {  	[sflag:s9] =	ssyncadd.s32 $0xFFFFC000  }
0xa6: {  	_ =	swait.ge [sflag:s9], $0x4000  }
0xa7: {  	[sflag:s9] =	ssyncset.done $0x0  }
0xa8: {  	[sflag:s9] =	ssyncadd.s32 $0xFFFFC000  }
0xa9: {  	_ =	swait.ge [sflag:s9], $0x4000  }
0xaa: {  	[sflag:s9] =	ssyncset.done $0x0  }
0xab: {  	[sflag:s9] =	ssyncadd.s32 $0xFFFFC000  }
0xac: {  	_ =	swait.ge [sflag:s9], $0x4000  }
0xad: {  	[sflag:s9] =	ssyncset.done $0x0  }
0xae: {  	[sflag:s9] =	ssyncadd.s32 $0xFFFFC000  }
0xaf: {  	_ =	swait.ge [sflag:s9], $0x4000  }
0xb0: {  	[sflag:s9] =	ssyncset.done $0x0  }
0xb1: {  	[sflag:s9] =	ssyncadd.s32 $0xFFFFC000  }
0xb2: {  	_ =	swait.ge [sflag:s9], $0x4000  }
0xb3: {  	[sflag:s9] =	ssyncset.done $0x0  }
0xb4: {  	[sflag:s9] =	ssyncadd.s32 $0xFFFFC000  }
0xb5: {  	_ =	swait.ge [sflag:s9], $0x4000  }
0xb6: {  	[sflag:s9] =	ssyncset.done $0x0  }
0xb7: {  	[sflag:s9] =	ssyncadd.s32 $0xFFFFC000  }
0xb8: {  	_ =	swait.ge [sflag:s9], $0x4000  }
0xb9: {  	[sflag:s9] =	ssyncset.done $0x0  }
0xba: {  	[sflag:s9] =	ssyncadd.s32 $0xFFFFC000  }
0xbb: {  	_ =	swait.ge [sflag:s9], $0x4000  }
0xbc: {  	[sflag:s9] =	ssyncset.done $0x0  }
0xbd: {  	[sflag:s9] =	ssyncadd.s32 $0xFFFFC000  }
0xbe: {  	_ =	swait.ge [sflag:s9], $0x4000  }
0xbf: {  	[sflag:s9] =	ssyncset.done $0x0  }
0xc0: {  	s10 =	sadd.s32 $0x1, s10;
	[sflag:s9] =	ssyncadd.s32 $0xFFFFC000  }
0xc1: {  	p0 =	sne.s32 s10, s25;
	_ =	swait.ge [sflag:s9], $0x4000  }
.Ltmp1:
0xc2: {  	[sflag:s9] =	ssyncset.done $0x0;
	(pc) =	sbr.rel @p0 .LBB2_1-.Ltmp1, $4  }
0xc3: {  	[sflag:s9] =	ssyncadd.s32 $0xFFFFC000  }
0xc4: {  	_ =	swait.ge [sflag:s9], $0x4000  }
0xc5: {  	[sflag:s9] =	ssyncset.done $0x0  }
0xc6: {  	[sflag:s9] =	ssyncadd.s32 $0xFFFFC000  }
0xc7: {  	_ =	sfence.sel $0x180000  }
0xc8: {  	[bflag:$0x0] =	sbarrier.arrive $0xFFFF  }
0xc9: {  	_ =	strace $0x90000047  }
0xca: {  	s0 =	stileid.u32;
	[bflag:$0x2] =	sbarrier.arrive $0xFFFF  }
0xcb: {  	p0 =	sne.s32 s0, $0x0;
	s0 =	rddreg [dreg:$0x1]  }
0xcc: {  	s0 =	sadd.s32 @!p0 $0x100000, s0  }
0xcd: {  	[sflag:s0] =	ssyncadd.tile.s32 @!p0 $0x1;
	_ =	shalt  }
.Lfunc_end2:
_tile_overlayer_lowered:
.L_overlay_start_2:
0xce: {  	(tag) =	ssettag $0x2  }
0xcf: {  	s0 =	rddreg [dreg:$0x0];
	s2 =	stileid.u32  }
0xd0: {  	s1 =	rddreg [dreg:$0x1];
	p0 =	sne.s32 s2, $0x0  }
0xd1: {  	s3 =	rddreg [dreg:$0x2];
	[bflag:$0x3] =	sbarrier.arrive $0xFFFF;
	s2 =	simm.s32 @!p0 $0x1C02  }
0xd2: {  	[timem:s3], [sflag:s2] =	dma.local @!p0 [hbm:s0], s1  }
0xd3: {  	s0 =	simm.s32 @!p0 $0x2  }
0xd4: {  	_ =	swait.ge @!p0 [sflag:s0], s1  }
0xd5: {  	s1 =	ssub.s32 @!p0 $0x0, s1;
	[sflag:s0] =	ssyncset.done @!p0 $0x0  }
0xd6: {  	[sflag:s0] =	ssyncadd.s32 @!p0 s1  }
0xd7: {  	[bflag:$0x3] =	sbarrier.arrive $0xFFFF  }
0xd8: {  	_ =	shalt  }

</sc_bundles>
